<compile_context>
chip_gen: v7x
topology: tpu7x:2x2x1
jax: 0.10.2.dev20260603
libtpu: 0.0.44.dev20260713+nightly
codegen_flags: <defaults>
</compile_context>

<pallas_src>
import jax
import jax.numpy as jnp
from jax import lax
from jax.experimental import pallas as pl
from jax.experimental.pallas import tpu as pltpu
from jax.experimental.pallas import tpu_sc as plsc

_BATCH = 16384
_FEAT = 64
_NCLASS = 1000000
_NC = 2
_NS = 16
_NW = _NC * _NS
_CHUNK = 512
_NCHUNKS = 999936 // _CHUNK
_TAIL0 = 999936
_SCALE = 0.5 / _BATCH
_POSBITS = 14
_NSTAGE = 16


_NSPLIT = 1


def _fire_chunk(centersT_hbm, g, buf, sem):
    part = _CHUNK // _NSPLIT
    for u in range(_NSPLIT):
        pltpu.async_copy(
            centersT_hbm.at[:, pl.ds(
                pl.multiple_of(g * _CHUNK + u * part, 128), part)],
            buf.at[:, pl.ds(u * part, part)], sem)


def _sc_body(label_hbm, centersT_hbm, tail_hbm, out_hbm,
             labels_v, hits_v, clist_v, buf0, buf1, stage_v, tail_v,
             sem_misc, sem_out, sem0, sem1):
    w = lax.axis_index("s") * _NC + lax.axis_index("c")
    lo = w * _NCHUNKS // _NW
    hi = (w + 1) * _NCHUNKS // _NW
    base = lo * _CHUNK
    limit = jnp.where(w == _NW - 1, _NCLASS, hi * _CHUNK)

    cp_lab = pltpu.async_copy(label_hbm, labels_v, sem_misc)
    cp_tail = pltpu.async_copy(tail_hbm, tail_v, sem_misc)
    _fire_chunk(centersT_hbm, lo, buf0, sem0)

    @pl.when(lo + 1 < hi)
    def _():
        _fire_chunk(centersT_hbm, lo + 1, buf1, sem1)

    cp_lab.wait()
    cp_tail.wait()

    iota = lax.iota(jnp.int32, 16)

    def scan_body(j, cnt):
        labv = labels_v[pl.ds(j * 16, 16)]
        m = (labv >= base) & (labv < limit)
        packed = lax.shift_left(labv - base, _POSBITS) | (iota + j * 16)
        plsc.store_compressed(hits_v.at[pl.ds(cnt, 16)], packed, mask=m)
        pc = plsc.all_reduce_population_count(m)
        return cnt + pc[0]

    cnt = lax.fori_loop(0, _BATCH // 16, scan_body, jnp.int32(0))
    cntv = jnp.broadcast_to(cnt, (16,))

    def emit_hits(buf, c0l, ccnt, nout0):

        def hit(e, nout):
            pk = clist_v[pl.ds(e, 16)][0]
            pos = pk & (2 ** _POSBITS - 1)
            col = lax.shift_right_logical(pk, _POSBITS) - c0l
            colv = jnp.broadcast_to(col, (16,))
            slot = nout % _NSTAGE
            soff = slot * _FEAT
            for q in range(4):
                cv = plsc.load_gather(buf, [iota + q * 16, colv])
                stage_v[pl.ds(soff + q * 16, 16)] = cv

            @pl.when(nout >= _NSTAGE)
            def _():
                pltpu.make_async_copy(
                    out_hbm.at[pl.ds(0, _FEAT)],
                    stage_v.at[pl.ds(0, _FEAT)], sem_out).wait()

            pltpu.async_copy(
                stage_v.at[pl.ds(soff, _FEAT)],
                out_hbm.at[pl.ds(pos * _FEAT, _FEAT)], sem_out)
            return nout + 1

        return lax.fori_loop(0, ccnt, hit, nout0)

    def rescan_range(lo_l, hi_l):
        def rescan(j, ccnt):
            pv = hits_v[pl.ds(j * 16, 16)]
            labl = lax.shift_right_logical(pv, _POSBITS)
            m = ((iota + j * 16) < cntv) & (labl >= lo_l) & (labl < hi_l)
            plsc.store_compressed(clist_v.at[pl.ds(ccnt, 16)], pv, mask=m)
            pc = plsc.all_reduce_population_count(m)
            return ccnt + pc[0]

        return lax.fori_loop(0, (cnt + 15) // 16, rescan, jnp.int32(0))

    def process_chunk(g, buf, nout):
        c0l = g * _CHUNK - base
        ccnt = rescan_range(c0l, c0l + _CHUNK)
        return emit_hits(buf, c0l, ccnt, nout)

    npairs = (hi - lo + 1) // 2

    def pair_body(p, nout):
        g0 = lo + 2 * p
        g1 = g0 + 1
        pltpu.make_async_copy(
            centersT_hbm.at[:, pl.ds(0, _CHUNK)], buf0, sem0).wait()

        nout = process_chunk(g0, buf0, nout)

        @pl.when(g0 + 2 < hi)
        def _():
            _fire_chunk(centersT_hbm, g0 + 2, buf0, sem0)

        def odd(nout_):
            pltpu.make_async_copy(
                centersT_hbm.at[:, pl.ds(0, _CHUNK)], buf1, sem1).wait()

            nout_ = process_chunk(g1, buf1, nout_)

            @pl.when(g1 + 2 < hi)
            def _():
                _fire_chunk(centersT_hbm, g1 + 2, buf1, sem1)

            return nout_

        return lax.cond(g1 < hi, odd, lambda n: n, nout)

    nout = lax.fori_loop(0, npairs, pair_body, jnp.int32(0))

    def tail_hits(nout_):
        c0l = _TAIL0 - base
        ccnt = rescan_range(c0l, c0l + 2 ** (31 - _POSBITS))
        return emit_hits(tail_v, c0l, ccnt, nout_)

    nout = lax.cond(w == _NW - 1, tail_hits, lambda n: n, nout)

    def drain(_, __):
        pltpu.make_async_copy(
            out_hbm.at[pl.ds(0, _FEAT)],
            stage_v.at[pl.ds(0, _FEAT)], sem_out).wait()
        return __

    lax.fori_loop(0, jnp.minimum(nout, _NSTAGE), drain, jnp.int32(0))


def _finish_body(feat_ref, g_ref, out_ref):
    d = feat_ref[...] - g_ref[...]
    out_ref[0, 0] = jnp.sum(d * d) * _SCALE


@jax.jit
def kernel(label, feat, centers):
    centersT = centers.T
    tail = lax.slice(centersT, (0, _TAIL0), (_FEAT, _NCLASS))

    sc = pl.kernel(
        _sc_body,
        out_type=jax.ShapeDtypeStruct((_BATCH * _FEAT,), jnp.float32),
        mesh=plsc.VectorSubcoreMesh(core_axis_name="c", subcore_axis_name="s"),
        compiler_params=pltpu.CompilerParams(needs_layout_passes=False),
        scratch_types=[
            pltpu.VMEM((_BATCH,), jnp.int32),
            pltpu.VMEM((_BATCH + 16,), jnp.int32),
            pltpu.VMEM((_BATCH + 16,), jnp.int32),
            pltpu.VMEM((_FEAT, _CHUNK), jnp.float32),
            pltpu.VMEM((_FEAT, _CHUNK), jnp.float32),
            pltpu.VMEM((_NSTAGE * _FEAT,), jnp.float32),
            pltpu.VMEM((_FEAT, _FEAT), jnp.float32),
            pltpu.SemaphoreType.DMA,
            pltpu.SemaphoreType.DMA,
            pltpu.SemaphoreType.DMA,
            pltpu.SemaphoreType.DMA,
        ],
    )
    gathered = sc(label, centersT, tail)

    loss11 = pl.pallas_call(
        _finish_body,
        out_shape=jax.ShapeDtypeStruct((1, 1), jnp.float32),
        out_specs=pl.BlockSpec(memory_space=pltpu.SMEM),
    )(feat, gathered.reshape(_BATCH, _FEAT))
    return loss11[0, 0]

# --- scband reference (transcript-rebuilt; emitter-appended) ---
"""Pipeline reference for scband-center-loss-2147483648070 (READ-ONLY COPY).

The authoritative reference and input builder live on the scoring server;
editing this copy changes nothing except your own understanding.
"""

import jax, jax.numpy as jnp
import numpy as np

NUM_CLASSES = 1000000
FEAT_DIM = 64
BATCH = 16384

def setup_inputs(seed: int = 0) -> dict:
    key = jax.random.key(seed)
    k1, k2, k3 = jax.random.split(key, 3)
    label = jax.random.randint(k1, (BATCH,), 0, NUM_CLASSES, dtype=jnp.int64 if jax.config.jax_enable_x64 else jnp.int32).astype(jnp.int32)
    feat = jax.random.normal(k2, (BATCH, FEAT_DIM), dtype=jnp.float32)
    centers = jax.random.normal(k3, (NUM_CLASSES, FEAT_DIM), dtype=jnp.float32)
    return {"label": label, "feat": feat, "centers": centers}

def reference(label, feat, centers):
    batch_size = feat.shape[0]
    feat = feat.reshape(batch_size, -1)
    # size_average=True -> divide by batch_size
    centers_batch = jnp.take(centers, label, axis=0)
    loss = jnp.sum((feat - centers_batch) ** 2) / 2.0 / batch_size
    return loss

if __name__ == "__main__":
    import jax
    _d = setup_inputs()
    print(jax.jit(kernel)(*tuple(_d.values())))

</pallas_src>

<mosaic_0001>
#map = affine_map<(d0, d1) -> (0)>
#map1 = affine_map<(d0, d1) -> (0, 0)>
module attributes {stable_mosaic.version = 14 : i64} {
  func.func @_sc_body(%arg0: i32, %arg1: i32, %arg2: memref<16384xi32, #tpu.memory_space<hbm>>, %arg3: memref<64x1000000xf32, #tpu.memory_space<hbm>>, %arg4: memref<64x64xf32, #tpu.memory_space<hbm>>, %arg5: memref<1048576xf32, #tpu.memory_space<hbm>>, %arg6: memref<16384xi32, #tpu.memory_space<vmem>>, %arg7: memref<16400xi32, #tpu.memory_space<vmem>>, %arg8: memref<16400xi32, #tpu.memory_space<vmem>>, %arg9: memref<64x512xf32, #tpu.memory_space<vmem>>, %arg10: memref<64x512xf32, #tpu.memory_space<vmem>>, %arg11: memref<1024xf32, #tpu.memory_space<vmem>>, %arg12: memref<64x64xf32, #tpu.memory_space<vmem>>, %arg13: memref<!tpu.dma_semaphore, #tpu.memory_space<semaphore_mem>>, %arg14: memref<!tpu.dma_semaphore, #tpu.memory_space<semaphore_mem>>, %arg15: memref<!tpu.dma_semaphore, #tpu.memory_space<semaphore_mem>>, %arg16: memref<!tpu.dma_semaphore, #tpu.memory_space<semaphore_mem>>) attributes {dimension_semantics = [#tpu.dimension_semantics<core_parallel>, #tpu.dimension_semantics<subcore_parallel>], iteration_bounds = array<i64: 2, 16>, scalar_prefetch = 0 : i64, scratch_operands = 11 : i64, tpu.core_type = #tpu.core_type<sc_vector_subcore>, window_params = [{transform_indices = #map}, {transform_indices = #map1}, {transform_indices = #map1}, {transform_indices = #map}]} {
    %mul3A = arith.constant 2 : i32
    %mul3A_0 = arith.muli %arg1, %mul3A : i32
    %add3A = arith.addi %mul3A_0, %arg0 : i32
    %mul3A_1 = arith.constant 1953 : i32
    %mul3A_2 = arith.muli %add3A, %mul3A_1 : i32
    %jit3A = arith.constant 32 : i32
    %div3A = arith.divsi %mul3A_2, %jit3A : i32
    %sign3A = arith.constant 0 : i32
    %sign3A_3 = arith.cmpi sgt, %mul3A_2, %sign3A : i32
    %sign3A_4 = arith.extui %sign3A_3 : i1 to i32
    %sign3A_5 = arith.constant 0 : i32
    %sign3A_6 = arith.cmpi slt, %mul3A_2, %sign3A_5 : i32
    %sign3A_7 = arith.extui %sign3A_6 : i1 to i32
    %sign3A_8 = arith.subi %sign3A_4, %sign3A_7 : i32
    %sign3A_9 = arith.constant 0 : i32
    %sign3A_10 = arith.cmpi sgt, %jit3A, %sign3A_9 : i32
    %sign3A_11 = arith.extui %sign3A_10 : i1 to i32
    %sign3A_12 = arith.constant 0 : i32
    %sign3A_13 = arith.cmpi slt, %jit3A, %sign3A_12 : i32
    %sign3A_14 = arith.extui %sign3A_13 : i1 to i32
    %sign3A_15 = arith.subi %sign3A_11, %sign3A_14 : i32
    %ne3A = arith.cmpi ne, %sign3A_8, %sign3A_15 : i32
    %rem3A = arith.remsi %mul3A_2, %jit3A : i32
    %ne3A_16 = arith.constant 0 : i32
    %ne3A_17 = arith.cmpi ne, %rem3A, %ne3A_16 : i32
    %and3A = arith.andi %ne3A, %ne3A_17 : i1
    %sub3A = arith.constant 1 : i32
    %sub3A_18 = arith.subi %div3A, %sub3A : i32
    %select_n3A = arith.select %and3A, %sub3A_18, %div3A : i32
    %add3A_19 = arith.constant 1 : i32
    %add3A_20 = arith.addi %add3A, %add3A_19 : i32
    %mul3A_21 = arith.constant 1953 : i32
    %mul3A_22 = arith.muli %add3A_20, %mul3A_21 : i32
    %jit3A_23 = arith.constant 32 : i32
    %div3A_24 = arith.divsi %mul3A_22, %jit3A_23 : i32
    %sign3A_25 = arith.constant 0 : i32
    %sign3A_26 = arith.cmpi sgt, %mul3A_22, %sign3A_25 : i32
    %sign3A_27 = arith.extui %sign3A_26 : i1 to i32
    %sign3A_28 = arith.constant 0 : i32
    %sign3A_29 = arith.cmpi slt, %mul3A_22, %sign3A_28 : i32
    %sign3A_30 = arith.extui %sign3A_29 : i1 to i32
    %sign3A_31 = arith.subi %sign3A_27, %sign3A_30 : i32
    %sign3A_32 = arith.constant 0 : i32
    %sign3A_33 = arith.cmpi sgt, %jit3A_23, %sign3A_32 : i32
    %sign3A_34 = arith.extui %sign3A_33 : i1 to i32
    %sign3A_35 = arith.constant 0 : i32
    %sign3A_36 = arith.cmpi slt, %jit3A_23, %sign3A_35 : i32
    %sign3A_37 = arith.extui %sign3A_36 : i1 to i32
    %sign3A_38 = arith.subi %sign3A_34, %sign3A_37 : i32
    %ne3A_39 = arith.cmpi ne, %sign3A_31, %sign3A_38 : i32
    %rem3A_40 = arith.remsi %mul3A_22, %jit3A_23 : i32
    %ne3A_41 = arith.constant 0 : i32
    %ne3A_42 = arith.cmpi ne, %rem3A_40, %ne3A_41 : i32
    %and3A_43 = arith.andi %ne3A_39, %ne3A_42 : i1
    %sub3A_44 = arith.constant 1 : i32
    %sub3A_45 = arith.subi %div3A_24, %sub3A_44 : i32
    %select_n3A_46 = arith.select %and3A_43, %sub3A_45, %div3A_24 : i32
    %mul3A_47 = arith.constant 512 : i32
    %mul3A_48 = arith.muli %select_n3A, %mul3A_47 : i32
    %eq3A = arith.constant 31 : i32
    %eq3A_49 = arith.cmpi eq, %add3A, %eq3A : i32
    %mul3A_50 = arith.constant 512 : i32
    %mul3A_51 = arith.muli %select_n3A_46, %mul3A_50 : i32
    %jit3A_52 = arith.constant 1000000 : i32
    %select_n3A_53 = arith.select %eq3A_49, %jit3A_52, %mul3A_51 : i32
    tpu.enqueue_dma source(%arg2 : memref<16384xi32, #tpu.memory_space<hbm>>) target(%arg6 : memref<16384xi32, #tpu.memory_space<vmem>>) target_semaphore(%arg13 : memref<!tpu.dma_semaphore, #tpu.memory_space<semaphore_mem>>)
    tpu.enqueue_dma source(%arg4 : memref<64x64xf32, #tpu.memory_space<hbm>>) target(%arg12 : memref<64x64xf32, #tpu.memory_space<vmem>>) target_semaphore(%arg13 : memref<!tpu.dma_semaphore, #tpu.memory_space<semaphore_mem>>)
    %mul3A_54 = arith.constant 512 : i32
    %mul3A_55 = arith.muli %select_n3A, %mul3A_54 : i32
    %add3A_56 = arith.constant 0 : i32
    %add3A_57 = arith.addi %mul3A_55, %add3A_56 : i32
    %multiple_of3A = tpu.assume_multiple %add3A_57, 128 : i32
    %dma_start3A = arith.constant 0 : i32
    %dma_start3A_58 = arith.constant 0 : i32
    %dma_start3A_59 = tpu.memref_slice %arg9[%dma_start3A, %dma_start3A_58] : memref<64x512xf32, #tpu.memory_space<vmem>> -> memref<64x512xf32, #tpu.memory_space<vmem>>
    %dma_start3A_60 = arith.constant 0 : i32
    %dma_start3A_61 = tpu.memref_slice %arg3[%dma_start3A_60, %multiple_of3A] : memref<64x1000000xf32, #tpu.memory_space<hbm>> -> memref<64x512xf32, #tpu.memory_space<hbm>>
    %dma_start3A_62 = arith.constant 0 : i32
    %dma_start3A_63 = arith.constant 0 : i32
    %dma_start3A_64 = tpu.memref_slice %arg9[%dma_start3A_62, %dma_start3A_63] : memref<64x512xf32, #tpu.memory_space<vmem>> -> memref<64x512xf32, #tpu.memory_space<vmem>>
    %dma_start3A_65 = arith.constant 0 : i32
    %dma_start3A_66 = tpu.memref_slice %arg3[%dma_start3A_65, %multiple_of3A] : memref<64x1000000xf32, #tpu.memory_space<hbm>> -> memref<64x512xf32, #tpu.memory_space<hbm>>
    tpu.enqueue_dma source(%dma_start3A_66 : memref<64x512xf32, #tpu.memory_space<hbm>>) target(%dma_start3A_64 : memref<64x512xf32, #tpu.memory_space<vmem>>) target_semaphore(%arg15 : memref<!tpu.dma_semaphore, #tpu.memory_space<semaphore_mem>>)
    %add3A_67 = arith.constant 1 : i32
    %add3A_68 = arith.addi %select_n3A, %add3A_67 : i32
    %lt3A = arith.cmpi slt, %add3A_68, %select_n3A_46 : i32
    %convert_element_type3A = arith.extui %lt3A : i1 to i32
    %cond3A = arith.constant 0 : i32
    %cond3A_69 = arith.cmpi ne, %convert_element_type3A, %cond3A : i32
    scf.if %cond3A_69 {
      %add3A_131 = arith.constant 1 : i32
      %add3A_132 = arith.addi %select_n3A, %add3A_131 : i32
      %mul3A_133 = arith.constant 512 : i32
      %mul3A_134 = arith.muli %add3A_132, %mul3A_133 : i32
      %add3A_135 = arith.constant 0 : i32
      %add3A_136 = arith.addi %mul3A_134, %add3A_135 : i32
      %multiple_of3A_137 = tpu.assume_multiple %add3A_136, 128 : i32
      %dma_start3A_138 = arith.constant 0 : i32
      %dma_start3A_139 = arith.constant 0 : i32
      %dma_start3A_140 = tpu.memref_slice %arg10[%dma_start3A_138, %dma_start3A_139] : memref<64x512xf32, #tpu.memory_space<vmem>> -> memref<64x512xf32, #tpu.memory_space<vmem>>
      %dma_start3A_141 = arith.constant 0 : i32
      %dma_start3A_142 = tpu.memref_slice %arg3[%dma_start3A_141, %multiple_of3A_137] : memref<64x1000000xf32, #tpu.memory_space<hbm>> -> memref<64x512xf32, #tpu.memory_space<hbm>>
      %dma_start3A_143 = arith.constant 0 : i32
      %dma_start3A_144 = arith.constant 0 : i32
      %dma_start3A_145 = tpu.memref_slice %arg10[%dma_start3A_143, %dma_start3A_144] : memref<64x512xf32, #tpu.memory_space<vmem>> -> memref<64x512xf32, #tpu.memory_space<vmem>>
      %dma_start3A_146 = arith.constant 0 : i32
      %dma_start3A_147 = tpu.memref_slice %arg3[%dma_start3A_146, %multiple_of3A_137] : memref<64x1000000xf32, #tpu.memory_space<hbm>> -> memref<64x512xf32, #tpu.memory_space<hbm>>
      tpu.enqueue_dma source(%dma_start3A_147 : memref<64x512xf32, #tpu.memory_space<hbm>>) target(%dma_start3A_145 : memref<64x512xf32, #tpu.memory_space<vmem>>) target_semaphore(%arg16 : memref<!tpu.dma_semaphore, #tpu.memory_space<semaphore_mem>>)
    } else {
    }
    tpu.wait_dma2 semaphore(%arg13 : memref<!tpu.dma_semaphore, #tpu.memory_space<semaphore_mem>>) src(%arg2 : memref<16384xi32, #tpu.memory_space<hbm>>) dst(%arg6 : memref<16384xi32, #tpu.memory_space<vmem>>)
    tpu.wait_dma2 semaphore(%arg13 : memref<!tpu.dma_semaphore, #tpu.memory_space<semaphore_mem>>) src(%arg4 : memref<64x64xf32, #tpu.memory_space<hbm>>) dst(%arg12 : memref<64x64xf32, #tpu.memory_space<vmem>>)
    %iota3A = tpu.iota {dimensions = array<i32: 0>} : vector<16xi32>
    %scan3A = arith.constant 0 : i32
    %scan3A_70 = arith.constant 0 : i32
    %scan3A_71 = arith.constant 1024 : i32
    %scan3A_72 = arith.addi %scan3A_70, %scan3A_71 : i32
    %scan3A_73 = arith.constant 1 : i32
    %scan3A_74 = scf.for %scan3A_131 = %scan3A_70 to %scan3A_72 step %scan3A_73 iter_args(%scan3A_132 = %scan3A) -> (i32)  : i32 {
      %mul3A_133 = arith.constant 16 : i32
      %mul3A_134 = arith.muli %scan3A_131, %mul3A_133 : i32
      %get3A = arith.index_cast %mul3A_134 : i32 to index
      %get3A_135 = tpu.vector_load %arg6[%get3A] {strides = array<i32>} : memref<16384xi32, #tpu.memory_space<vmem>>, vector<16xi32>,
      %ge3A = vector.broadcast %mul3A_48 : i32 to vector<16xi32>
      %ge3A_136 = arith.cmpi sge, %get3A_135, %ge3A : vector<16xi32>
      %lt3A_137 = vector.broadcast %select_n3A_53 : i32 to vector<16xi32>
      %lt3A_138 = arith.cmpi slt, %get3A_135, %lt3A_137 : vector<16xi32>
      %and3A_139 = arith.andi %ge3A_136, %lt3A_138 : vector<16xi1>
      %sub3A_140 = vector.broadcast %mul3A_48 : i32 to vector<16xi32>
      %sub3A_141 = arith.subi %get3A_135, %sub3A_140 : vector<16xi32>
      %shift_left3A = arith.constant 14 : i32
      %shift_left3A_142 = vector.broadcast %shift_left3A : i32 to vector<16xi32>
      %shift_left3A_143 = arith.shli %sub3A_141, %shift_left3A_142 : vector<16xi32>
      %mul3A_144 = arith.constant 16 : i32
      %mul3A_145 = arith.muli %scan3A_131, %mul3A_144 : i32
      %add3A_146 = vector.broadcast %mul3A_145 : i32 to vector<16xi32>
      %add3A_147 = arith.addi %iota3A, %add3A_146 : vector<16xi32>
      %or3A = arith.ori %shift_left3A_143, %add3A_147 : vector<16xi32>
      %swap3A = arith.index_cast %scan3A_132 : i32 to index
      %swap3A_148 = tpu.vector_load %arg7[%swap3A] masked %and3A_139 {strides = array<i32>} : memref<16400xi32, #tpu.memory_space<vmem>>, vector<16xi32>, vector<16xi1>
      tpu.vector_store %arg7[%swap3A], %or3A masked %and3A_139 {strides = array<i32>} : memref<16400xi32, #tpu.memory_space<vmem>>, vector<16xi32>, vector<16xi1>
      %all_reduce_population_count3A = tpu.all_reduce %and3A_139 {dim = 0 : i64, kind = #tpu.reduction_kind<sum>} : vector<16xi1> -> vector<16xi32>
      %slice3A = vector.extract_strided_slice %all_reduce_population_count3A {offsets = [0], sizes = [1], strides = [1]} : vector<16xi32> to vector<1xi32>
      %squeeze3A = vector.extract %slice3A[0] : i32 from vector<1xi32>
      %add3A_149 = arith.addi %scan3A_132, %squeeze3A : i32
      scf.yield %add3A_149 : i32
    }
    %scan3A_75 = arith.constant 1024 : i32
    %broadcast_in_dim3A = vector.broadcast %scan3A_74 : i32 to vector<16xi32>
    %sub3A_76 = arith.subi %select_n3A_46, %select_n3A : i32
    %add3A_77 = arith.constant 1 : i32
    %add3A_78 = arith.addi %sub3A_76, %add3A_77 : i32
    %jit3A_79 = arith.constant 2 : i32
    %div3A_80 = arith.divsi %add3A_78, %jit3A_79 : i32
    %sign3A_81 = arith.constant 0 : i32
    %sign3A_82 = arith.cmpi sgt, %add3A_78, %sign3A_81 : i32
    %sign3A_83 = arith.extui %sign3A_82 : i1 to i32
    %sign3A_84 = arith.constant 0 : i32
    %sign3A_85 = arith.cmpi slt, %add3A_78, %sign3A_84 : i32
    %sign3A_86 = arith.extui %sign3A_85 : i1 to i32
    %sign3A_87 = arith.subi %sign3A_83, %sign3A_86 : i32
    %sign3A_88 = arith.constant 0 : i32
    %sign3A_89 = arith.cmpi sgt, %jit3A_79, %sign3A_88 : i32
    %sign3A_90 = arith.extui %sign3A_89 : i1 to i32
    %sign3A_91 = arith.constant 0 : i32
    %sign3A_92 = arith.cmpi slt, %jit3A_79, %sign3A_91 : i32
    %sign3A_93 = arith.extui %sign3A_92 : i1 to i32
    %sign3A_94 = arith.subi %sign3A_90, %sign3A_93 : i32
    %ne3A_95 = arith.cmpi ne, %sign3A_87, %sign3A_94 : i32
    %rem3A_96 = arith.remsi %add3A_78, %jit3A_79 : i32
    %ne3A_97 = arith.constant 0 : i32
    %ne3A_98 = arith.cmpi ne, %rem3A_96, %ne3A_97 : i32
    %and3A_99 = arith.andi %ne3A_95, %ne3A_98 : i1
    %sub3A_100 = arith.constant 1 : i32
    %sub3A_101 = arith.subi %div3A_80, %sub3A_100 : i32
    %select_n3A_102 = arith.select %and3A_99, %sub3A_101, %div3A_80 : i32
    %while3A = arith.constant 0 : i32
    %while3A_103 = arith.constant 0 : i32
    %while3A_104 = arith.subi %select_n3A_102, %while3A : i32
    %while3A_105 = arith.addi %while3A, %while3A_104 : i32
    %while3A_106 = arith.constant 1 : i32
    %while3A_107 = arith.divsi %while3A_104, %while3A_106 : i32
    %while3A_108 = arith.muli %while3A_107, %while3A_106 : i32
    %while3A_109 = arith.addi %while3A, %while3A_108 : i32
    %while3A_110 = arith.constant 1 : i32
    %while3A_111 = scf.for %while3A_131 = %while3A to %while3A_109 step %while3A_110 iter_args(%while3A_132 = %while3A_103) -> (i32)  : i32 {
      %mul3A_133 = arith.constant 2 : i32
      %mul3A_134 = arith.muli %mul3A_133, %while3A_131 : i32
      %add3A_135 = arith.addi %select_n3A, %mul3A_134 : i32
      %add3A_136 = arith.constant 1 : i32
      %add3A_137 = arith.addi %add3A_135, %add3A_136 : i32
      %dma_wait3A = arith.constant 0 : i32
      %dma_wait3A_138 = arith.constant 0 : i32
      %dma_wait3A_139 = tpu.memref_slice %arg3[%dma_wait3A, %dma_wait3A_138] : memref<64x1000000xf32, #tpu.memory_space<hbm>> -> memref<64x512xf32, #tpu.memory_space<hbm>>
      %dma_wait3A_140 = arith.constant 0 : i32
      %dma_wait3A_141 = arith.constant 0 : i32
      %dma_wait3A_142 = tpu.memref_slice %arg3[%dma_wait3A_140, %dma_wait3A_141] : memref<64x1000000xf32, #tpu.memory_space<hbm>> -> memref<64x512xf32, #tpu.memory_space<hbm>>
      tpu.wait_dma2 semaphore(%arg15 : memref<!tpu.dma_semaphore, #tpu.memory_space<semaphore_mem>>) src(%dma_wait3A_142 : memref<64x512xf32, #tpu.memory_space<hbm>>) dst(%arg9 : memref<64x512xf32, #tpu.memory_space<vmem>>)
      %mul3A_143 = arith.constant 512 : i32
      %mul3A_144 = arith.muli %add3A_135, %mul3A_143 : i32
      %sub3A_145 = arith.subi %mul3A_144, %mul3A_48 : i32
      %add3A_146 = arith.constant 512 : i32
      %add3A_147 = arith.addi %sub3A_145, %add3A_146 : i32
      %add3A_148 = arith.constant 15 : i32
      %add3A_149 = arith.addi %scan3A_74, %add3A_148 : i32
      %jit3A_150 = arith.constant 16 : i32
      %div3A_151 = arith.divsi %add3A_149, %jit3A_150 : i32
      %sign3A_152 = arith.constant 0 : i32
      %sign3A_153 = arith.cmpi sgt, %add3A_149, %sign3A_152 : i32
      %sign3A_154 = arith.extui %sign3A_153 : i1 to i32
      %sign3A_155 = arith.constant 0 : i32
      %sign3A_156 = arith.cmpi slt, %add3A_149, %sign3A_155 : i32
      %sign3A_157 = arith.extui %sign3A_156 : i1 to i32
      %sign3A_158 = arith.subi %sign3A_154, %sign3A_157 : i32
      %sign3A_159 = arith.constant 0 : i32
      %sign3A_160 = arith.cmpi sgt, %jit3A_150, %sign3A_159 : i32
      %sign3A_161 = arith.extui %sign3A_160 : i1 to i32
      %sign3A_162 = arith.constant 0 : i32
      %sign3A_163 = arith.cmpi slt, %jit3A_150, %sign3A_162 : i32
      %sign3A_164 = arith.extui %sign3A_163 : i1 to i32
      %sign3A_165 = arith.subi %sign3A_161, %sign3A_164 : i32
      %ne3A_166 = arith.cmpi ne, %sign3A_158, %sign3A_165 : i32
      %rem3A_167 = arith.remsi %add3A_149, %jit3A_150 : i32
      %ne3A_168 = arith.constant 0 : i32
      %ne3A_169 = arith.cmpi ne, %rem3A_167, %ne3A_168 : i32
      %and3A_170 = arith.andi %ne3A_166, %ne3A_169 : i1
      %sub3A_171 = arith.constant 1 : i32
      %sub3A_172 = arith.subi %div3A_151, %sub3A_171 : i32
      %select_n3A_173 = arith.select %and3A_170, %sub3A_172, %div3A_151 : i32
      %while3A_174 = arith.constant 0 : i32
      %while3A_175 = arith.constant 0 : i32
      %while3A_176 = arith.subi %select_n3A_173, %while3A_174 : i32
      %while3A_177 = arith.addi %while3A_174, %while3A_176 : i32
      %while3A_178 = arith.constant 1 : i32
      %while3A_179 = arith.divsi %while3A_176, %while3A_178 : i32
      %while3A_180 = arith.muli %while3A_179, %while3A_178 : i32
      %while3A_181 = arith.addi %while3A_174, %while3A_180 : i32
      %while3A_182 = arith.constant 1 : i32
      %while3A_183 = scf.for %while3A_208 = %while3A_174 to %while3A_181 step %while3A_182 iter_args(%while3A_209 = %while3A_175) -> (i32)  : i32 {
        %mul3A_210 = arith.constant 16 : i32
        %mul3A_211 = arith.muli %while3A_208, %mul3A_210 : i32
        %get3A = arith.index_cast %mul3A_211 : i32 to index
        %get3A_212 = tpu.vector_load %arg7[%get3A] {strides = array<i32>} : memref<16400xi32, #tpu.memory_space<vmem>>, vector<16xi32>,
        %shift_right_logical3A = arith.constant 14 : i32
        %shift_right_logical3A_213 = vector.broadcast %shift_right_logical3A : i32 to vector<16xi32>
        %shift_right_logical3A_214 = arith.shrui %get3A_212, %shift_right_logical3A_213 : vector<16xi32>
        %mul3A_215 = arith.constant 16 : i32
        %mul3A_216 = arith.muli %while3A_208, %mul3A_215 : i32
        %add3A_217 = vector.broadcast %mul3A_216 : i32 to vector<16xi32>
        %add3A_218 = arith.addi %iota3A, %add3A_217 : vector<16xi32>
        %lt3A_219 = arith.cmpi slt, %add3A_218, %broadcast_in_dim3A : vector<16xi32>
        %ge3A = vector.broadcast %sub3A_145 : i32 to vector<16xi32>
        %ge3A_220 = arith.cmpi sge, %shift_right_logical3A_214, %ge3A : vector<16xi32>
        %and3A_221 = arith.andi %lt3A_219, %ge3A_220 : vector<16xi1>
        %lt3A_222 = vector.broadcast %add3A_147 : i32 to vector<16xi32>
        %lt3A_223 = arith.cmpi slt, %shift_right_logical3A_214, %lt3A_222 : vector<16xi32>
        %and3A_224 = arith.andi %and3A_221, %lt3A_223 : vector<16xi1>
        %swap3A = arith.index_cast %while3A_209 : i32 to index
        %swap3A_225 = tpu.vector_load %arg8[%swap3A] masked %and3A_224 {strides = array<i32>} : memref<16400xi32, #tpu.memory_space<vmem>>, vector<16xi32>, vector<16xi1>
        tpu.vector_store %arg8[%swap3A], %get3A_212 masked %and3A_224 {strides = array<i32>} : memref<16400xi32, #tpu.memory_space<vmem>>, vector<16xi32>, vector<16xi1>
        %all_reduce_population_count3A = tpu.all_reduce %and3A_224 {dim = 0 : i64, kind = #tpu.reduction_kind<sum>} : vector<16xi1> -> vector<16xi32>
        %slice3A = vector.extract_strided_slice %all_reduce_population_count3A {offsets = [0], sizes = [1], strides = [1]} : vector<16xi32> to vector<1xi32>
        %squeeze3A = vector.extract %slice3A[0] : i32 from vector<1xi32>
        %add3A_226 = arith.addi %while3A_209, %squeeze3A : i32
        scf.yield %add3A_226 : i32
      }
      %while3A_184 = arith.constant 1 : i32
      %while3A_185 = scf.for %while3A_208 = %while3A_181 to %while3A_177 step %while3A_184 iter_args(%while3A_209 = %while3A_183) -> (i32)  : i32 {
        %mul3A_210 = arith.constant 16 : i32
        %mul3A_211 = arith.muli %while3A_208, %mul3A_210 : i32
        %get3A = arith.index_cast %mul3A_211 : i32 to index
        %get3A_212 = tpu.vector_load %arg7[%get3A] {strides = array<i32>} : memref<16400xi32, #tpu.memory_space<vmem>>, vector<16xi32>,
        %shift_right_logical3A = arith.constant 14 : i32
        %shift_right_logical3A_213 = vector.broadcast %shift_right_logical3A : i32 to vector<16xi32>
        %shift_right_logical3A_214 = arith.shrui %get3A_212, %shift_right_logical3A_213 : vector<16xi32>
        %mul3A_215 = arith.constant 16 : i32
        %mul3A_216 = arith.muli %while3A_208, %mul3A_215 : i32
        %add3A_217 = vector.broadcast %mul3A_216 : i32 to vector<16xi32>
        %add3A_218 = arith.addi %iota3A, %add3A_217 : vector<16xi32>
        %lt3A_219 = arith.cmpi slt, %add3A_218, %broadcast_in_dim3A : vector<16xi32>
        %ge3A = vector.broadcast %sub3A_145 : i32 to vector<16xi32>
        %ge3A_220 = arith.cmpi sge, %shift_right_logical3A_214, %ge3A : vector<16xi32>
        %and3A_221 = arith.andi %lt3A_219, %ge3A_220 : vector<16xi1>
        %lt3A_222 = vector.broadcast %add3A_147 : i32 to vector<16xi32>
        %lt3A_223 = arith.cmpi slt, %shift_right_logical3A_214, %lt3A_222 : vector<16xi32>
        %and3A_224 = arith.andi %and3A_221, %lt3A_223 : vector<16xi1>
        %swap3A = arith.index_cast %while3A_209 : i32 to index
        %swap3A_225 = tpu.vector_load %arg8[%swap3A] masked %and3A_224 {strides = array<i32>} : memref<16400xi32, #tpu.memory_space<vmem>>, vector<16xi32>, vector<16xi1>
        tpu.vector_store %arg8[%swap3A], %get3A_212 masked %and3A_224 {strides = array<i32>} : memref<16400xi32, #tpu.memory_space<vmem>>, vector<16xi32>, vector<16xi1>
        %all_reduce_population_count3A = tpu.all_reduce %and3A_224 {dim = 0 : i64, kind = #tpu.reduction_kind<sum>} : vector<16xi1> -> vector<16xi32>
        %slice3A = vector.extract_strided_slice %all_reduce_population_count3A {offsets = [0], sizes = [1], strides = [1]} : vector<16xi32> to vector<1xi32>
        %squeeze3A = vector.extract %slice3A[0] : i32 from vector<1xi32>
        %add3A_226 = arith.addi %while3A_209, %squeeze3A : i32
        scf.yield %add3A_226 : i32
      }
      %while3A_186 = arith.constant 0 : i32
      %while3A_187 = arith.subi %while3A_185, %while3A_186 : i32
      %while3A_188 = arith.addi %while3A_186, %while3A_187 : i32
      %while3A_189 = arith.constant 1 : i32
      %while3A_190 = arith.divsi %while3A_187, %while3A_189 : i32
      %while3A_191 = arith.muli %while3A_190, %while3A_189 : i32
      %while3A_192 = arith.addi %while3A_186, %while3A_191 : i32
      %while3A_193 = arith.constant 1 : i32
      %while3A_194 = scf.for %while3A_208 = %while3A_186 to %while3A_192 step %while3A_193 iter_args(%while3A_209 = %while3A_132) -> (i32)  : i32 {
        %get3A = arith.index_cast %while3A_208 : i32 to index
        %get3A_210 = tpu.vector_load %arg8[%get3A] {strides = array<i32>} : memref<16400xi32, #tpu.memory_space<vmem>>, vector<16xi32>,
        %slice3A = vector.extract_strided_slice %get3A_210 {offsets = [0], sizes = [1], strides = [1]} : vector<16xi32> to vector<1xi32>
        %squeeze3A = vector.extract %slice3A[0] : i32 from vector<1xi32>
        %and3A_211 = arith.constant 16383 : i32
        %and3A_212 = arith.andi %squeeze3A, %and3A_211 : i32
        %shift_right_logical3A = arith.constant 14 : i32
        %shift_right_logical3A_213 = arith.shrui %squeeze3A, %shift_right_logical3A : i32
        %sub3A_214 = arith.subi %shift_right_logical3A_213, %sub3A_145 : i32
        %broadcast_in_dim3A_215 = vector.broadcast %sub3A_214 : i32 to vector<16xi32>
        %jit3A_216 = arith.constant 16 : i32
        %eq3A_217 = arith.constant 0 : i32
        %eq3A_218 = arith.cmpi eq, %jit3A_216, %eq3A_217 : i32
        %jit3A_219 = arith.constant 1 : i32
        %select_n3A_220 = arith.select %eq3A_218, %jit3A_219, %jit3A_216 : i32
        %rem3A_221 = arith.remsi %while3A_209, %select_n3A_220 : i32
        %ne3A_222 = arith.constant 0 : i32
        %ne3A_223 = arith.cmpi ne, %rem3A_221, %ne3A_222 : i32
        %lt3A_224 = arith.constant 0 : i32
        %lt3A_225 = arith.cmpi slt, %rem3A_221, %lt3A_224 : i32
        %lt3A_226 = arith.constant 0 : i32
        %lt3A_227 = arith.cmpi slt, %select_n3A_220, %lt3A_226 : i32
        %ne3A_228 = arith.xori %lt3A_225, %lt3A_227 : i1
        %and3A_229 = arith.andi %ne3A_228, %ne3A_223 : i1
        %add3A_230 = arith.addi %rem3A_221, %select_n3A_220 : i32
        %select_n3A_231 = arith.select %and3A_229, %add3A_230, %rem3A_221 : i32
        %mul3A_232 = arith.constant 64 : i32
        %mul3A_233 = arith.muli %select_n3A_231, %mul3A_232 : i32
        %add3A_234 = arith.constant 0 : i32
        %add3A_235 = vector.broadcast %add3A_234 : i32 to vector<16xi32>
        %add3A_236 = arith.addi %iota3A, %add3A_235 : vector<16xi32>
        %gather3A = tpu.vector_load_idx %arg9[%add3A_236, %broadcast_in_dim3A_215] : memref<64x512xf32, #tpu.memory_space<vmem>>[vector<16xi32>, vector<16xi32>], vector<16xf32>,
        %add3A_237 = arith.constant 0 : i32
        %add3A_238 = arith.addi %mul3A_233, %add3A_237 : i32
        %swap3A = arith.index_cast %add3A_238 : i32 to index
        %swap3A_239 = tpu.vector_load %arg11[%swap3A] {strides = array<i32>} : memref<1024xf32, #tpu.memory_space<vmem>>, vector<16xf32>,
        tpu.vector_store %arg11[%swap3A], %gather3A {strides = array<i32>} : memref<1024xf32, #tpu.memory_space<vmem>>, vector<16xf32>,
        %add3A_240 = arith.constant 16 : i32
        %add3A_241 = vector.broadcast %add3A_240 : i32 to vector<16xi32>
        %add3A_242 = arith.addi %iota3A, %add3A_241 : vector<16xi32>
        %gather3A_243 = tpu.vector_load_idx %arg9[%add3A_242, %broadcast_in_dim3A_215] : memref<64x512xf32, #tpu.memory_space<vmem>>[vector<16xi32>, vector<16xi32>], vector<16xf32>,
        %add3A_244 = arith.constant 16 : i32
        %add3A_245 = arith.addi %mul3A_233, %add3A_244 : i32
        %swap3A_246 = arith.index_cast %add3A_245 : i32 to index
        %swap3A_247 = tpu.vector_load %arg11[%swap3A_246] {strides = array<i32>} : memref<1024xf32, #tpu.memory_space<vmem>>, vector<16xf32>,
        tpu.vector_store %arg11[%swap3A_246], %gather3A_243 {strides = array<i32>} : memref<1024xf32, #tpu.memory_space<vmem>>, vector<16xf32>,
        %add3A_248 = arith.constant 32 : i32
        %add3A_249 = vector.broadcast %add3A_248 : i32 to vector<16xi32>
        %add3A_250 = arith.addi %iota3A, %add3A_249 : vector<16xi32>
        %gather3A_251 = tpu.vector_load_idx %arg9[%add3A_250, %broadcast_in_dim3A_215] : memref<64x512xf32, #tpu.memory_space<vmem>>[vector<16xi32>, vector<16xi32>], vector<16xf32>,
        %add3A_252 = arith.constant 32 : i32
        %add3A_253 = arith.addi %mul3A_233, %add3A_252 : i32
        %swap3A_254 = arith.index_cast %add3A_253 : i32 to index
        %swap3A_255 = tpu.vector_load %arg11[%swap3A_254] {strides = array<i32>} : memref<1024xf32, #tpu.memory_space<vmem>>, vector<16xf32>,
        tpu.vector_store %arg11[%swap3A_254], %gather3A_251 {strides = array<i32>} : memref<1024xf32, #tpu.memory_space<vmem>>, vector<16xf32>,
        %add3A_256 = arith.constant 48 : i32
        %add3A_257 = vector.broadcast %add3A_256 : i32 to vector<16xi32>
        %add3A_258 = arith.addi %iota3A, %add3A_257 : vector<16xi32>
        %gather3A_259 = tpu.vector_load_idx %arg9[%add3A_258, %broadcast_in_dim3A_215] : memref<64x512xf32, #tpu.memory_space<vmem>>[vector<16xi32>, vector<16xi32>], vector<16xf32>,
        %add3A_260 = arith.constant 48 : i32
        %add3A_261 = arith.addi %mul3A_233, %add3A_260 : i32
        %swap3A_262 = arith.index_cast %add3A_261 : i32 to index
        %swap3A_263 = tpu.vector_load %arg11[%swap3A_262] {strides = array<i32>} : memref<1024xf32, #tpu.memory_space<vmem>>, vector<16xf32>,
        tpu.vector_store %arg11[%swap3A_262], %gather3A_259 {strides = array<i32>} : memref<1024xf32, #tpu.memory_space<vmem>>, vector<16xf32>,
        %ge3A = arith.constant 16 : i32
        %ge3A_264 = arith.cmpi sge, %while3A_209, %ge3A : i32
        %convert_element_type3A_265 = arith.extui %ge3A_264 : i1 to i32
        %cond3A_266 = arith.constant 0 : i32
        %cond3A_267 = arith.cmpi ne, %convert_element_type3A_265, %cond3A_266 : i32
        scf.if %cond3A_267 {
          %dma_wait3A_276 = arith.constant 0 : i32
          %dma_wait3A_277 = tpu.memref_slice %arg11[%dma_wait3A_276] : memref<1024xf32, #tpu.memory_space<vmem>> -> memref<64xf32, #tpu.memory_space<vmem>>
          %dma_wait3A_278 = arith.constant 0 : i32
          %dma_wait3A_279 = tpu.memref_slice %arg5[%dma_wait3A_278] : memref<1048576xf32, #tpu.memory_space<hbm>> -> memref<64xf32, #tpu.memory_space<hbm>>
          %dma_wait3A_280 = arith.constant 0 : i32
          %dma_wait3A_281 = tpu.memref_slice %arg11[%dma_wait3A_280] : memref<1024xf32, #tpu.memory_space<vmem>> -> memref<64xf32, #tpu.memory_space<vmem>>
          %dma_wait3A_282 = arith.constant 0 : i32
          %dma_wait3A_283 = tpu.memref_slice %arg5[%dma_wait3A_282] : memref<1048576xf32, #tpu.memory_space<hbm>> -> memref<64xf32, #tpu.memory_space<hbm>>
          tpu.wait_dma2 semaphore(%arg14 : memref<!tpu.dma_semaphore, #tpu.memory_space<semaphore_mem>>) src(%dma_wait3A_283 : memref<64xf32, #tpu.memory_space<hbm>>) dst(%dma_wait3A_281 : memref<64xf32, #tpu.memory_space<vmem>>)
        } else {
        }
        %mul3A_268 = arith.constant 64 : i32
        %mul3A_269 = arith.muli %and3A_212, %mul3A_268 : i32
        %dma_start3A_270 = tpu.memref_slice %arg11[%mul3A_233] : memref<1024xf32, #tpu.memory_space<vmem>> -> memref<64xf32, #tpu.memory_space<vmem>>
        %dma_start3A_271 = tpu.memref_slice %arg5[%mul3A_269] : memref<1048576xf32, #tpu.memory_space<hbm>> -> memref<64xf32, #tpu.memory_space<hbm>>
        %dma_start3A_272 = tpu.memref_slice %arg5[%mul3A_269] : memref<1048576xf32, #tpu.memory_space<hbm>> -> memref<64xf32, #tpu.memory_space<hbm>>
        %dma_start3A_273 = tpu.memref_slice %arg11[%mul3A_233] : memref<1024xf32, #tpu.memory_space<vmem>> -> memref<64xf32, #tpu.memory_space<vmem>>
        tpu.enqueue_dma source(%dma_start3A_273 : memref<64xf32, #tpu.memory_space<vmem>>) target(%dma_start3A_272 : memref<64xf32, #tpu.memory_space<hbm>>) target_semaphore(%arg14 : memref<!tpu.dma_semaphore, #tpu.memory_space<semaphore_mem>>)
        %add3A_274 = arith.constant 1 : i32
        %add3A_275 = arith.addi %while3A_209, %add3A_274 : i32
        scf.yield %add3A_275 : i32
      }
      %while3A_195 = arith.constant 1 : i32
      %while3A_196 = scf.for %while3A_208 = %while3A_192 to %while3A_188 step %while3A_195 iter_args(%while3A_209 = %while3A_194) -> (i32)  : i32 {
        %get3A = arith.index_cast %while3A_208 : i32 to index
        %get3A_210 = tpu.vector_load %arg8[%get3A] {strides = array<i32>} : memref<16400xi32, #tpu.memory_space<vmem>>, vector<16xi32>,
        %slice3A = vector.extract_strided_slice %get3A_210 {offsets = [0], sizes = [1], strides = [1]} : vector<16xi32> to vector<1xi32>
        %squeeze3A = vector.extract %slice3A[0] : i32 from vector<1xi32>
        %and3A_211 = arith.constant 16383 : i32
        %and3A_212 = arith.andi %squeeze3A, %and3A_211 : i32
        %shift_right_logical3A = arith.constant 14 : i32
        %shift_right_logical3A_213 = arith.shrui %squeeze3A, %shift_right_logical3A : i32
        %sub3A_214 = arith.subi %shift_right_logical3A_213, %sub3A_145 : i32
        %broadcast_in_dim3A_215 = vector.broadcast %sub3A_214 : i32 to vector<16xi32>
        %jit3A_216 = arith.constant 16 : i32
        %eq3A_217 = arith.constant 0 : i32
        %eq3A_218 = arith.cmpi eq, %jit3A_216, %eq3A_217 : i32
        %jit3A_219 = arith.constant 1 : i32
        %select_n3A_220 = arith.select %eq3A_218, %jit3A_219, %jit3A_216 : i32
        %rem3A_221 = arith.remsi %while3A_209, %select_n3A_220 : i32
        %ne3A_222 = arith.constant 0 : i32
        %ne3A_223 = arith.cmpi ne, %rem3A_221, %ne3A_222 : i32
        %lt3A_224 = arith.constant 0 : i32
        %lt3A_225 = arith.cmpi slt, %rem3A_221, %lt3A_224 : i32
        %lt3A_226 = arith.constant 0 : i32
        %lt3A_227 = arith.cmpi slt, %select_n3A_220, %lt3A_226 : i32
        %ne3A_228 = arith.xori %lt3A_225, %lt3A_227 : i1
        %and3A_229 = arith.andi %ne3A_228, %ne3A_223 : i1
        %add3A_230 = arith.addi %rem3A_221, %select_n3A_220 : i32
        %select_n3A_231 = arith.select %and3A_229, %add3A_230, %rem3A_221 : i32
        %mul3A_232 = arith.constant 64 : i32
        %mul3A_233 = arith.muli %select_n3A_231, %mul3A_232 : i32
        %add3A_234 = arith.constant 0 : i32
        %add3A_235 = vector.broadcast %add3A_234 : i32 to vector<16xi32>
        %add3A_236 = arith.addi %iota3A, %add3A_235 : vector<16xi32>
        %gather3A = tpu.vector_load_idx %arg9[%add3A_236, %broadcast_in_dim3A_215] : memref<64x512xf32, #tpu.memory_space<vmem>>[vector<16xi32>, vector<16xi32>], vector<16xf32>,
        %add3A_237 = arith.constant 0 : i32
        %add3A_238 = arith.addi %mul3A_233, %add3A_237 : i32
        %swap3A = arith.index_cast %add3A_238 : i32 to index
        %swap3A_239 = tpu.vector_load %arg11[%swap3A] {strides = array<i32>} : memref<1024xf32, #tpu.memory_space<vmem>>, vector<16xf32>,
        tpu.vector_store %arg11[%swap3A], %gather3A {strides = array<i32>} : memref<1024xf32, #tpu.memory_space<vmem>>, vector<16xf32>,
        %add3A_240 = arith.constant 16 : i32
        %add3A_241 = vector.broadcast %add3A_240 : i32 to vector<16xi32>
        %add3A_242 = arith.addi %iota3A, %add3A_241 : vector<16xi32>
        %gather3A_243 = tpu.vector_load_idx %arg9[%add3A_242, %broadcast_in_dim3A_215] : memref<64x512xf32, #tpu.memory_space<vmem>>[vector<16xi32>, vector<16xi32>], vector<16xf32>,
        %add3A_244 = arith.constant 16 : i32
        %add3A_245 = arith.addi %mul3A_233, %add3A_244 : i32
        %swap3A_246 = arith.index_cast %add3A_245 : i32 to index
        %swap3A_247 = tpu.vector_load %arg11[%swap3A_246] {strides = array<i32>} : memref<1024xf32, #tpu.memory_space<vmem>>, vector<16xf32>,
        tpu.vector_store %arg11[%swap3A_246], %gather3A_243 {strides = array<i32>} : memref<1024xf32, #tpu.memory_space<vmem>>, vector<16xf32>,
        %add3A_248 = arith.constant 32 : i32
        %add3A_249 = vector.broadcast %add3A_248 : i32 to vector<16xi32>
        %add3A_250 = arith.addi %iota3A, %add3A_249 : vector<16xi32>
        %gather3A_251 = tpu.vector_load_idx %arg9[%add3A_250, %broadcast_in_dim3A_215] : memref<64x512xf32, #tpu.memory_space<vmem>>[vector<16xi32>, vector<16xi32>], vector<16xf32>,
        %add3A_252 = arith.constant 32 : i32
        %add3A_253 = arith.addi %mul3A_233, %add3A_252 : i32
        %swap3A_254 = arith.index_cast %add3A_253 : i32 to index
        %swap3A_255 = tpu.vector_load %arg11[%swap3A_254] {strides = array<i32>} : memref<1024xf32, #tpu.memory_space<vmem>>, vector<16xf32>,
        tpu.vector_store %arg11[%swap3A_254], %gather3A_251 {strides = array<i32>} : memref<1024xf32, #tpu.memory_space<vmem>>, vector<16xf32>,
        %add3A_256 = arith.constant 48 : i32
        %add3A_257 = vector.broadcast %add3A_256 : i32 to vector<16xi32>
        %add3A_258 = arith.addi %iota3A, %add3A_257 : vector<16xi32>
        %gather3A_259 = tpu.vector_load_idx %arg9[%add3A_258, %broadcast_in_dim3A_215] : memref<64x512xf32, #tpu.memory_space<vmem>>[vector<16xi32>, vector<16xi32>], vector<16xf32>,
        %add3A_260 = arith.constant 48 : i32
        %add3A_261 = arith.addi %mul3A_233, %add3A_260 : i32
        %swap3A_262 = arith.index_cast %add3A_261 : i32 to index
        %swap3A_263 = tpu.vector_load %arg11[%swap3A_262] {strides = array<i32>} : memref<1024xf32, #tpu.memory_space<vmem>>, vector<16xf32>,
        tpu.vector_store %arg11[%swap3A_262], %gather3A_259 {strides = array<i32>} : memref<1024xf32, #tpu.memory_space<vmem>>, vector<16xf32>,
        %ge3A = arith.constant 16 : i32
        %ge3A_264 = arith.cmpi sge, %while3A_209, %ge3A : i32
        %convert_element_type3A_265 = arith.extui %ge3A_264 : i1 to i32
        %cond3A_266 = arith.constant 0 : i32
        %cond3A_267 = arith.cmpi ne, %convert_element_type3A_265, %cond3A_266 : i32
        scf.if %cond3A_267 {
          %dma_wait3A_276 = arith.constant 0 : i32
          %dma_wait3A_277 = tpu.memref_slice %arg11[%dma_wait3A_276] : memref<1024xf32, #tpu.memory_space<vmem>> -> memref<64xf32, #tpu.memory_space<vmem>>
          %dma_wait3A_278 = arith.constant 0 : i32
          %dma_wait3A_279 = tpu.memref_slice %arg5[%dma_wait3A_278] : memref<1048576xf32, #tpu.memory_space<hbm>> -> memref<64xf32, #tpu.memory_space<hbm>>
          %dma_wait3A_280 = arith.constant 0 : i32
          %dma_wait3A_281 = tpu.memref_slice %arg11[%dma_wait3A_280] : memref<1024xf32, #tpu.memory_space<vmem>> -> memref<64xf32, #tpu.memory_space<vmem>>
          %dma_wait3A_282 = arith.constant 0 : i32
          %dma_wait3A_283 = tpu.memref_slice %arg5[%dma_wait3A_282] : memref<1048576xf32, #tpu.memory_space<hbm>> -> memref<64xf32, #tpu.memory_space<hbm>>
          tpu.wait_dma2 semaphore(%arg14 : memref<!tpu.dma_semaphore, #tpu.memory_space<semaphore_mem>>) src(%dma_wait3A_283 : memref<64xf32, #tpu.memory_space<hbm>>) dst(%dma_wait3A_281 : memref<64xf32, #tpu.memory_space<vmem>>)
        } else {
        }
        %mul3A_268 = arith.constant 64 : i32
        %mul3A_269 = arith.muli %and3A_212, %mul3A_268 : i32
        %dma_start3A_270 = tpu.memref_slice %arg11[%mul3A_233] : memref<1024xf32, #tpu.memory_space<vmem>> -> memref<64xf32, #tpu.memory_space<vmem>>
        %dma_start3A_271 = tpu.memref_slice %arg5[%mul3A_269] : memref<1048576xf32, #tpu.memory_space<hbm>> -> memref<64xf32, #tpu.memory_space<hbm>>
        %dma_start3A_272 = tpu.memref_slice %arg5[%mul3A_269] : memref<1048576xf32, #tpu.memory_space<hbm>> -> memref<64xf32, #tpu.memory_space<hbm>>
        %dma_start3A_273 = tpu.memref_slice %arg11[%mul3A_233] : memref<1024xf32, #tpu.memory_space<vmem>> -> memref<64xf32, #tpu.memory_space<vmem>>
        tpu.enqueue_dma source(%dma_start3A_273 : memref<64xf32, #tpu.memory_space<vmem>>) target(%dma_start3A_272 : memref<64xf32, #tpu.memory_space<hbm>>) target_semaphore(%arg14 : memref<!tpu.dma_semaphore, #tpu.memory_space<semaphore_mem>>)
        %add3A_274 = arith.constant 1 : i32
        %add3A_275 = arith.addi %while3A_209, %add3A_274 : i32
        scf.yield %add3A_275 : i32
      }
      %add3A_197 = arith.constant 2 : i32
      %add3A_198 = arith.addi %add3A_135, %add3A_197 : i32
      %lt3A_199 = arith.cmpi slt, %add3A_198, %select_n3A_46 : i32
      %convert_element_type3A_200 = arith.extui %lt3A_199 : i1 to i32
      %cond3A_201 = arith.constant 0 : i32
      %cond3A_202 = arith.cmpi ne, %convert_element_type3A_200, %cond3A_201 : i32
      scf.if %cond3A_202 {
        %add3A_208 = arith.constant 2 : i32
        %add3A_209 = arith.addi %add3A_135, %add3A_208 : i32
        %mul3A_210 = arith.constant 512 : i32
        %mul3A_211 = arith.muli %add3A_209, %mul3A_210 : i32
        %add3A_212 = arith.constant 0 : i32
        %add3A_213 = arith.addi %mul3A_211, %add3A_212 : i32
        %multiple_of3A_214 = tpu.assume_multiple %add3A_213, 128 : i32
        %dma_start3A_215 = arith.constant 0 : i32
        %dma_start3A_216 = arith.constant 0 : i32
        %dma_start3A_217 = tpu.memref_slice %arg9[%dma_start3A_215, %dma_start3A_216] : memref<64x512xf32, #tpu.memory_space<vmem>> -> memref<64x512xf32, #tpu.memory_space<vmem>>
        %dma_start3A_218 = arith.constant 0 : i32
        %dma_start3A_219 = tpu.memref_slice %arg3[%dma_start3A_218, %multiple_of3A_214] : memref<64x1000000xf32, #tpu.memory_space<hbm>> -> memref<64x512xf32, #tpu.memory_space<hbm>>
        %dma_start3A_220 = arith.constant 0 : i32
        %dma_start3A_221 = arith.constant 0 : i32
        %dma_start3A_222 = tpu.memref_slice %arg9[%dma_start3A_220, %dma_start3A_221] : memref<64x512xf32, #tpu.memory_space<vmem>> -> memref<64x512xf32, #tpu.memory_space<vmem>>
        %dma_start3A_223 = arith.constant 0 : i32
        %dma_start3A_224 = tpu.memref_slice %arg3[%dma_start3A_223, %multiple_of3A_214] : memref<64x1000000xf32, #tpu.memory_space<hbm>> -> memref<64x512xf32, #tpu.memory_space<hbm>>
        tpu.enqueue_dma source(%dma_start3A_224 : memref<64x512xf32, #tpu.memory_space<hbm>>) target(%dma_start3A_222 : memref<64x512xf32, #tpu.memory_space<vmem>>) target_semaphore(%arg15 : memref<!tpu.dma_semaphore, #tpu.memory_space<semaphore_mem>>)
      } else {
      }
      %lt3A_203 = arith.cmpi slt, %add3A_137, %select_n3A_46 : i32
      %convert_element_type3A_204 = arith.extui %lt3A_203 : i1 to i32
      %cond3A_205 = arith.constant 0 : i32
      %cond3A_206 = arith.cmpi ne, %convert_element_type3A_204, %cond3A_205 : i32
      %cond3A_207 = scf.if %cond3A_206 -> (i32) {
        %dma_wait3A_208 = arith.constant 0 : i32
        %dma_wait3A_209 = arith.constant 0 : i32
        %dma_wait3A_210 = tpu.memref_slice %arg3[%dma_wait3A_208, %dma_wait3A_209] : memref<64x1000000xf32, #tpu.memory_space<hbm>> -> memref<64x512xf32, #tpu.memory_space<hbm>>
        %dma_wait3A_211 = arith.constant 0 : i32
        %dma_wait3A_212 = arith.constant 0 : i32
        %dma_wait3A_213 = tpu.memref_slice %arg3[%dma_wait3A_211, %dma_wait3A_212] : memref<64x1000000xf32, #tpu.memory_space<hbm>> -> memref<64x512xf32, #tpu.memory_space<hbm>>
        tpu.wait_dma2 semaphore(%arg16 : memref<!tpu.dma_semaphore, #tpu.memory_space<semaphore_mem>>) src(%dma_wait3A_213 : memref<64x512xf32, #tpu.memory_space<hbm>>) dst(%arg10 : memref<64x512xf32, #tpu.memory_space<vmem>>)
        %mul3A_214 = arith.constant 512 : i32
        %mul3A_215 = arith.muli %add3A_137, %mul3A_214 : i32
        %sub3A_216 = arith.subi %mul3A_215, %mul3A_48 : i32
        %add3A_217 = arith.constant 512 : i32
        %add3A_218 = arith.addi %sub3A_216, %add3A_217 : i32
        %add3A_219 = arith.constant 15 : i32
        %add3A_220 = arith.addi %scan3A_74, %add3A_219 : i32
        %jit3A_221 = arith.constant 16 : i32
        %div3A_222 = arith.divsi %add3A_220, %jit3A_221 : i32
        %sign3A_223 = arith.constant 0 : i32
        %sign3A_224 = arith.cmpi sgt, %add3A_220, %sign3A_223 : i32
        %sign3A_225 = arith.extui %sign3A_224 : i1 to i32
        %sign3A_226 = arith.constant 0 : i32
        %sign3A_227 = arith.cmpi slt, %add3A_220, %sign3A_226 : i32
        %sign3A_228 = arith.extui %sign3A_227 : i1 to i32
        %sign3A_229 = arith.subi %sign3A_225, %sign3A_228 : i32
        %sign3A_230 = arith.constant 0 : i32
        %sign3A_231 = arith.cmpi sgt, %jit3A_221, %sign3A_230 : i32
        %sign3A_232 = arith.extui %sign3A_231 : i1 to i32
        %sign3A_233 = arith.constant 0 : i32
        %sign3A_234 = arith.cmpi slt, %jit3A_221, %sign3A_233 : i32
        %sign3A_235 = arith.extui %sign3A_234 : i1 to i32
        %sign3A_236 = arith.subi %sign3A_232, %sign3A_235 : i32
        %ne3A_237 = arith.cmpi ne, %sign3A_229, %sign3A_236 : i32
        %rem3A_238 = arith.remsi %add3A_220, %jit3A_221 : i32
        %ne3A_239 = arith.constant 0 : i32
        %ne3A_240 = arith.cmpi ne, %rem3A_238, %ne3A_239 : i32
        %and3A_241 = arith.andi %ne3A_237, %ne3A_240 : i1
        %sub3A_242 = arith.constant 1 : i32
        %sub3A_243 = arith.subi %div3A_222, %sub3A_242 : i32
        %select_n3A_244 = arith.select %and3A_241, %sub3A_243, %div3A_222 : i32
        %while3A_245 = arith.constant 0 : i32
        %while3A_246 = arith.constant 0 : i32
        %while3A_247 = arith.subi %select_n3A_244, %while3A_245 : i32
        %while3A_248 = arith.addi %while3A_245, %while3A_247 : i32
        %while3A_249 = arith.constant 1 : i32
        %while3A_250 = arith.divsi %while3A_247, %while3A_249 : i32
        %while3A_251 = arith.muli %while3A_250, %while3A_249 : i32
        %while3A_252 = arith.addi %while3A_245, %while3A_251 : i32
        %while3A_253 = arith.constant 1 : i32
        %while3A_254 = scf.for %while3A_274 = %while3A_245 to %while3A_252 step %while3A_253 iter_args(%while3A_275 = %while3A_246) -> (i32)  : i32 {
          %mul3A_276 = arith.constant 16 : i32
          %mul3A_277 = arith.muli %while3A_274, %mul3A_276 : i32
          %get3A = arith.index_cast %mul3A_277 : i32 to index
          %get3A_278 = tpu.vector_load %arg7[%get3A] {strides = array<i32>} : memref<16400xi32, #tpu.memory_space<vmem>>, vector<16xi32>,
          %shift_right_logical3A = arith.constant 14 : i32
          %shift_right_logical3A_279 = vector.broadcast %shift_right_logical3A : i32 to vector<16xi32>
          %shift_right_logical3A_280 = arith.shrui %get3A_278, %shift_right_logical3A_279 : vector<16xi32>
          %mul3A_281 = arith.constant 16 : i32
          %mul3A_282 = arith.muli %while3A_274, %mul3A_281 : i32
          %add3A_283 = vector.broadcast %mul3A_282 : i32 to vector<16xi32>
          %add3A_284 = arith.addi %iota3A, %add3A_283 : vector<16xi32>
          %lt3A_285 = arith.cmpi slt, %add3A_284, %broadcast_in_dim3A : vector<16xi32>
          %ge3A = vector.broadcast %sub3A_216 : i32 to vector<16xi32>
          %ge3A_286 = arith.cmpi sge, %shift_right_logical3A_280, %ge3A : vector<16xi32>
          %and3A_287 = arith.andi %lt3A_285, %ge3A_286 : vector<16xi1>
          %lt3A_288 = vector.broadcast %add3A_218 : i32 to vector<16xi32>
          %lt3A_289 = arith.cmpi slt, %shift_right_logical3A_280, %lt3A_288 : vector<16xi32>
          %and3A_290 = arith.andi %and3A_287, %lt3A_289 : vector<16xi1>
          %swap3A = arith.index_cast %while3A_275 : i32 to index
          %swap3A_291 = tpu.vector_load %arg8[%swap3A] masked %and3A_290 {strides = array<i32>} : memref<16400xi32, #tpu.memory_space<vmem>>, vector<16xi32>, vector<16xi1>
          tpu.vector_store %arg8[%swap3A], %get3A_278 masked %and3A_290 {strides = array<i32>} : memref<16400xi32, #tpu.memory_space<vmem>>, vector<16xi32>, vector<16xi1>
          %all_reduce_population_count3A = tpu.all_reduce %and3A_290 {dim = 0 : i64, kind = #tpu.reduction_kind<sum>} : vector<16xi1> -> vector<16xi32>
          %slice3A = vector.extract_strided_slice %all_reduce_population_count3A {offsets = [0], sizes = [1], strides = [1]} : vector<16xi32> to vector<1xi32>
          %squeeze3A = vector.extract %slice3A[0] : i32 from vector<1xi32>
          %add3A_292 = arith.addi %while3A_275, %squeeze3A : i32
          scf.yield %add3A_292 : i32
        }
        %while3A_255 = arith.constant 1 : i32
        %while3A_256 = scf.for %while3A_274 = %while3A_252 to %while3A_248 step %while3A_255 iter_args(%while3A_275 = %while3A_254) -> (i32)  : i32 {
          %mul3A_276 = arith.constant 16 : i32
          %mul3A_277 = arith.muli %while3A_274, %mul3A_276 : i32
          %get3A = arith.index_cast %mul3A_277 : i32 to index
          %get3A_278 = tpu.vector_load %arg7[%get3A] {strides = array<i32>} : memref<16400xi32, #tpu.memory_space<vmem>>, vector<16xi32>,
          %shift_right_logical3A = arith.constant 14 : i32
          %shift_right_logical3A_279 = vector.broadcast %shift_right_logical3A : i32 to vector<16xi32>
          %shift_right_logical3A_280 = arith.shrui %get3A_278, %shift_right_logical3A_279 : vector<16xi32>
          %mul3A_281 = arith.constant 16 : i32
          %mul3A_282 = arith.muli %while3A_274, %mul3A_281 : i32
          %add3A_283 = vector.broadcast %mul3A_282 : i32 to vector<16xi32>
          %add3A_284 = arith.addi %iota3A, %add3A_283 : vector<16xi32>
          %lt3A_285 = arith.cmpi slt, %add3A_284, %broadcast_in_dim3A : vector<16xi32>
          %ge3A = vector.broadcast %sub3A_216 : i32 to vector<16xi32>
          %ge3A_286 = arith.cmpi sge, %shift_right_logical3A_280, %ge3A : vector<16xi32>
          %and3A_287 = arith.andi %lt3A_285, %ge3A_286 : vector<16xi1>
          %lt3A_288 = vector.broadcast %add3A_218 : i32 to vector<16xi32>
          %lt3A_289 = arith.cmpi slt, %shift_right_logical3A_280, %lt3A_288 : vector<16xi32>
          %and3A_290 = arith.andi %and3A_287, %lt3A_289 : vector<16xi1>
          %swap3A = arith.index_cast %while3A_275 : i32 to index
          %swap3A_291 = tpu.vector_load %arg8[%swap3A] masked %and3A_290 {strides = array<i32>} : memref<16400xi32, #tpu.memory_space<vmem>>, vector<16xi32>, vector<16xi1>
          tpu.vector_store %arg8[%swap3A], %get3A_278 masked %and3A_290 {strides = array<i32>} : memref<16400xi32, #tpu.memory_space<vmem>>, vector<16xi32>, vector<16xi1>
          %all_reduce_population_count3A = tpu.all_reduce %and3A_290 {dim = 0 : i64, kind = #tpu.reduction_kind<sum>} : vector<16xi1> -> vector<16xi32>
          %slice3A = vector.extract_strided_slice %all_reduce_population_count3A {offsets = [0], sizes = [1], strides = [1]} : vector<16xi32> to vector<1xi32>
          %squeeze3A = vector.extract %slice3A[0] : i32 from vector<1xi32>
          %add3A_292 = arith.addi %while3A_275, %squeeze3A : i32
          scf.yield %add3A_292 : i32
        }
        %while3A_257 = arith.constant 0 : i32
        %while3A_258 = arith.subi %while3A_256, %while3A_257 : i32
        %while3A_259 = arith.addi %while3A_257, %while3A_258 : i32
        %while3A_260 = arith.constant 1 : i32
        %while3A_261 = arith.divsi %while3A_258, %while3A_260 : i32
        %while3A_262 = arith.muli %while3A_261, %while3A_260 : i32
        %while3A_263 = arith.addi %while3A_257, %while3A_262 : i32
        %while3A_264 = arith.constant 1 : i32
        %while3A_265 = scf.for %while3A_274 = %while3A_257 to %while3A_263 step %while3A_264 iter_args(%while3A_275 = %while3A_196) -> (i32)  : i32 {
          %get3A = arith.index_cast %while3A_274 : i32 to index
          %get3A_276 = tpu.vector_load %arg8[%get3A] {strides = array<i32>} : memref<16400xi32, #tpu.memory_space<vmem>>, vector<16xi32>,
          %slice3A = vector.extract_strided_slice %get3A_276 {offsets = [0], sizes = [1], strides = [1]} : vector<16xi32> to vector<1xi32>
          %squeeze3A = vector.extract %slice3A[0] : i32 from vector<1xi32>
          %and3A_277 = arith.constant 16383 : i32
          %and3A_278 = arith.andi %squeeze3A, %and3A_277 : i32
          %shift_right_logical3A = arith.constant 14 : i32
          %shift_right_logical3A_279 = arith.shrui %squeeze3A, %shift_right_logical3A : i32
          %sub3A_280 = arith.subi %shift_right_logical3A_279, %sub3A_216 : i32
          %broadcast_in_dim3A_281 = vector.broadcast %sub3A_280 : i32 to vector<16xi32>
          %jit3A_282 = arith.constant 16 : i32
          %eq3A_283 = arith.constant 0 : i32
          %eq3A_284 = arith.cmpi eq, %jit3A_282, %eq3A_283 : i32
          %jit3A_285 = arith.constant 1 : i32
          %select_n3A_286 = arith.select %eq3A_284, %jit3A_285, %jit3A_282 : i32
          %rem3A_287 = arith.remsi %while3A_275, %select_n3A_286 : i32
          %ne3A_288 = arith.constant 0 : i32
          %ne3A_289 = arith.cmpi ne, %rem3A_287, %ne3A_288 : i32
          %lt3A_290 = arith.constant 0 : i32
          %lt3A_291 = arith.cmpi slt, %rem3A_287, %lt3A_290 : i32
          %lt3A_292 = arith.constant 0 : i32
          %lt3A_293 = arith.cmpi slt, %select_n3A_286, %lt3A_292 : i32
          %ne3A_294 = arith.xori %lt3A_291, %lt3A_293 : i1
          %and3A_295 = arith.andi %ne3A_294, %ne3A_289 : i1
          %add3A_296 = arith.addi %rem3A_287, %select_n3A_286 : i32
          %select_n3A_297 = arith.select %and3A_295, %add3A_296, %rem3A_287 : i32
          %mul3A_298 = arith.constant 64 : i32
          %mul3A_299 = arith.muli %select_n3A_297, %mul3A_298 : i32
          %add3A_300 = arith.constant 0 : i32
          %add3A_301 = vector.broadcast %add3A_300 : i32 to vector<16xi32>
          %add3A_302 = arith.addi %iota3A, %add3A_301 : vector<16xi32>
          %gather3A = tpu.vector_load_idx %arg10[%add3A_302, %broadcast_in_dim3A_281] : memref<64x512xf32, #tpu.memory_space<vmem>>[vector<16xi32>, vector<16xi32>], vector<16xf32>,
          %add3A_303 = arith.constant 0 : i32
          %add3A_304 = arith.addi %mul3A_299, %add3A_303 : i32
          %swap3A = arith.index_cast %add3A_304 : i32 to index
          %swap3A_305 = tpu.vector_load %arg11[%swap3A] {strides = array<i32>} : memref<1024xf32, #tpu.memory_space<vmem>>, vector<16xf32>,
          tpu.vector_store %arg11[%swap3A], %gather3A {strides = array<i32>} : memref<1024xf32, #tpu.memory_space<vmem>>, vector<16xf32>,
          %add3A_306 = arith.constant 16 : i32
          %add3A_307 = vector.broadcast %add3A_306 : i32 to vector<16xi32>
          %add3A_308 = arith.addi %iota3A, %add3A_307 : vector<16xi32>
          %gather3A_309 = tpu.vector_load_idx %arg10[%add3A_308, %broadcast_in_dim3A_281] : memref<64x512xf32, #tpu.memory_space<vmem>>[vector<16xi32>, vector<16xi32>], vector<16xf32>,
          %add3A_310 = arith.constant 16 : i32
          %add3A_311 = arith.addi %mul3A_299, %add3A_310 : i32
          %swap3A_312 = arith.index_cast %add3A_311 : i32 to index
          %swap3A_313 = tpu.vector_load %arg11[%swap3A_312] {strides = array<i32>} : memref<1024xf32, #tpu.memory_space<vmem>>, vector<16xf32>,
          tpu.vector_store %arg11[%swap3A_312], %gather3A_309 {strides = array<i32>} : memref<1024xf32, #tpu.memory_space<vmem>>, vector<16xf32>,
          %add3A_314 = arith.constant 32 : i32
          %add3A_315 = vector.broadcast %add3A_314 : i32 to vector<16xi32>
          %add3A_316 = arith.addi %iota3A, %add3A_315 : vector<16xi32>
          %gather3A_317 = tpu.vector_load_idx %arg10[%add3A_316, %broadcast_in_dim3A_281] : memref<64x512xf32, #tpu.memory_space<vmem>>[vector<16xi32>, vector<16xi32>], vector<16xf32>,
          %add3A_318 = arith.constant 32 : i32
          %add3A_319 = arith.addi %mul3A_299, %add3A_318 : i32
          %swap3A_320 = arith.index_cast %add3A_319 : i32 to index
          %swap3A_321 = tpu.vector_load %arg11[%swap3A_320] {strides = array<i32>} : memref<1024xf32, #tpu.memory_space<vmem>>, vector<16xf32>,
          tpu.vector_store %arg11[%swap3A_320], %gather3A_317 {strides = array<i32>} : memref<1024xf32, #tpu.memory_space<vmem>>, vector<16xf32>,
          %add3A_322 = arith.constant 48 : i32
          %add3A_323 = vector.broadcast %add3A_322 : i32 to vector<16xi32>
          %add3A_324 = arith.addi %iota3A, %add3A_323 : vector<16xi32>
          %gather3A_325 = tpu.vector_load_idx %arg10[%add3A_324, %broadcast_in_dim3A_281] : memref<64x512xf32, #tpu.memory_space<vmem>>[vector<16xi32>, vector<16xi32>], vector<16xf32>,
          %add3A_326 = arith.constant 48 : i32
          %add3A_327 = arith.addi %mul3A_299, %add3A_326 : i32
          %swap3A_328 = arith.index_cast %add3A_327 : i32 to index
          %swap3A_329 = tpu.vector_load %arg11[%swap3A_328] {strides = array<i32>} : memref<1024xf32, #tpu.memory_space<vmem>>, vector<16xf32>,
          tpu.vector_store %arg11[%swap3A_328], %gather3A_325 {strides = array<i32>} : memref<1024xf32, #tpu.memory_space<vmem>>, vector<16xf32>,
          %ge3A = arith.constant 16 : i32
          %ge3A_330 = arith.cmpi sge, %while3A_275, %ge3A : i32
          %convert_element_type3A_331 = arith.extui %ge3A_330 : i1 to i32
          %cond3A_332 = arith.constant 0 : i32
          %cond3A_333 = arith.cmpi ne, %convert_element_type3A_331, %cond3A_332 : i32
          scf.if %cond3A_333 {
            %dma_wait3A_342 = arith.constant 0 : i32
            %dma_wait3A_343 = tpu.memref_slice %arg11[%dma_wait3A_342] : memref<1024xf32, #tpu.memory_space<vmem>> -> memref<64xf32, #tpu.memory_space<vmem>>
            %dma_wait3A_344 = arith.constant 0 : i32
            %dma_wait3A_345 = tpu.memref_slice %arg5[%dma_wait3A_344] : memref<1048576xf32, #tpu.memory_space<hbm>> -> memref<64xf32, #tpu.memory_space<hbm>>
            %dma_wait3A_346 = arith.constant 0 : i32
            %dma_wait3A_347 = tpu.memref_slice %arg11[%dma_wait3A_346] : memref<1024xf32, #tpu.memory_space<vmem>> -> memref<64xf32, #tpu.memory_space<vmem>>
            %dma_wait3A_348 = arith.constant 0 : i32
            %dma_wait3A_349 = tpu.memref_slice %arg5[%dma_wait3A_348] : memref<1048576xf32, #tpu.memory_space<hbm>> -> memref<64xf32, #tpu.memory_space<hbm>>
            tpu.wait_dma2 semaphore(%arg14 : memref<!tpu.dma_semaphore, #tpu.memory_space<semaphore_mem>>) src(%dma_wait3A_349 : memref<64xf32, #tpu.memory_space<hbm>>) dst(%dma_wait3A_347 : memref<64xf32, #tpu.memory_space<vmem>>)
          } else {
          }
          %mul3A_334 = arith.constant 64 : i32
          %mul3A_335 = arith.muli %and3A_278, %mul3A_334 : i32
          %dma_start3A_336 = tpu.memref_slice %arg11[%mul3A_299] : memref<1024xf32, #tpu.memory_space<vmem>> -> memref<64xf32, #tpu.memory_space<vmem>>
          %dma_start3A_337 = tpu.memref_slice %arg5[%mul3A_335] : memref<1048576xf32, #tpu.memory_space<hbm>> -> memref<64xf32, #tpu.memory_space<hbm>>
          %dma_start3A_338 = tpu.memref_slice %arg5[%mul3A_335] : memref<1048576xf32, #tpu.memory_space<hbm>> -> memref<64xf32, #tpu.memory_space<hbm>>
          %dma_start3A_339 = tpu.memref_slice %arg11[%mul3A_299] : memref<1024xf32, #tpu.memory_space<vmem>> -> memref<64xf32, #tpu.memory_space<vmem>>
          tpu.enqueue_dma source(%dma_start3A_339 : memref<64xf32, #tpu.memory_space<vmem>>) target(%dma_start3A_338 : memref<64xf32, #tpu.memory_space<hbm>>) target_semaphore(%arg14 : memref<!tpu.dma_semaphore, #tpu.memory_space<semaphore_mem>>)
          %add3A_340 = arith.constant 1 : i32
          %add3A_341 = arith.addi %while3A_275, %add3A_340 : i32
          scf.yield %add3A_341 : i32
        }
        %while3A_266 = arith.constant 1 : i32
        %while3A_267 = scf.for %while3A_274 = %while3A_263 to %while3A_259 step %while3A_266 iter_args(%while3A_275 = %while3A_265) -> (i32)  : i32 {
          %get3A = arith.index_cast %while3A_274 : i32 to index
          %get3A_276 = tpu.vector_load %arg8[%get3A] {strides = array<i32>} : memref<16400xi32, #tpu.memory_space<vmem>>, vector<16xi32>,
          %slice3A = vector.extract_strided_slice %get3A_276 {offsets = [0], sizes = [1], strides = [1]} : vector<16xi32> to vector<1xi32>
          %squeeze3A = vector.extract %slice3A[0] : i32 from vector<1xi32>
          %and3A_277 = arith.constant 16383 : i32
          %and3A_278 = arith.andi %squeeze3A, %and3A_277 : i32
          %shift_right_logical3A = arith.constant 14 : i32
          %shift_right_logical3A_279 = arith.shrui %squeeze3A, %shift_right_logical3A : i32
          %sub3A_280 = arith.subi %shift_right_logical3A_279, %sub3A_216 : i32
          %broadcast_in_dim3A_281 = vector.broadcast %sub3A_280 : i32 to vector<16xi32>
          %jit3A_282 = arith.constant 16 : i32
          %eq3A_283 = arith.constant 0 : i32
          %eq3A_284 = arith.cmpi eq, %jit3A_282, %eq3A_283 : i32
          %jit3A_285 = arith.constant 1 : i32
          %select_n3A_286 = arith.select %eq3A_284, %jit3A_285, %jit3A_282 : i32
          %rem3A_287 = arith.remsi %while3A_275, %select_n3A_286 : i32
          %ne3A_288 = arith.constant 0 : i32
          %ne3A_289 = arith.cmpi ne, %rem3A_287, %ne3A_288 : i32
          %lt3A_290 = arith.constant 0 : i32
          %lt3A_291 = arith.cmpi slt, %rem3A_287, %lt3A_290 : i32
          %lt3A_292 = arith.constant 0 : i32
          %lt3A_293 = arith.cmpi slt, %select_n3A_286, %lt3A_292 : i32
          %ne3A_294 = arith.xori %lt3A_291, %lt3A_293 : i1
          %and3A_295 = arith.andi %ne3A_294, %ne3A_289 : i1
          %add3A_296 = arith.addi %rem3A_287, %select_n3A_286 : i32
          %select_n3A_297 = arith.select %and3A_295, %add3A_296, %rem3A_287 : i32
          %mul3A_298 = arith.constant 64 : i32
          %mul3A_299 = arith.muli %select_n3A_297, %mul3A_298 : i32
          %add3A_300 = arith.constant 0 : i32
          %add3A_301 = vector.broadcast %add3A_300 : i32 to vector<16xi32>
          %add3A_302 = arith.addi %iota3A, %add3A_301 : vector<16xi32>
          %gather3A = tpu.vector_load_idx %arg10[%add3A_302, %broadcast_in_dim3A_281] : memref<64x512xf32, #tpu.memory_space<vmem>>[vector<16xi32>, vector<16xi32>], vector<16xf32>,
          %add3A_303 = arith.constant 0 : i32
          %add3A_304 = arith.addi %mul3A_299, %add3A_303 : i32
          %swap3A = arith.index_cast %add3A_304 : i32 to index
          %swap3A_305 = tpu.vector_load %arg11[%swap3A] {strides = array<i32>} : memref<1024xf32, #tpu.memory_space<vmem>>, vector<16xf32>,
          tpu.vector_store %arg11[%swap3A], %gather3A {strides = array<i32>} : memref<1024xf32, #tpu.memory_space<vmem>>, vector<16xf32>,
          %add3A_306 = arith.constant 16 : i32
          %add3A_307 = vector.broadcast %add3A_306 : i32 to vector<16xi32>
          %add3A_308 = arith.addi %iota3A, %add3A_307 : vector<16xi32>
          %gather3A_309 = tpu.vector_load_idx %arg10[%add3A_308, %broadcast_in_dim3A_281] : memref<64x512xf32, #tpu.memory_space<vmem>>[vector<16xi32>, vector<16xi32>], vector<16xf32>,
          %add3A_310 = arith.constant 16 : i32
          %add3A_311 = arith.addi %mul3A_299, %add3A_310 : i32
          %swap3A_312 = arith.index_cast %add3A_311 : i32 to index
          %swap3A_313 = tpu.vector_load %arg11[%swap3A_312] {strides = array<i32>} : memref<1024xf32, #tpu.memory_space<vmem>>, vector<16xf32>,
          tpu.vector_store %arg11[%swap3A_312], %gather3A_309 {strides = array<i32>} : memref<1024xf32, #tpu.memory_space<vmem>>, vector<16xf32>,
          %add3A_314 = arith.constant 32 : i32
          %add3A_315 = vector.broadcast %add3A_314 : i32 to vector<16xi32>
          %add3A_316 = arith.addi %iota3A, %add3A_315 : vector<16xi32>
          %gather3A_317 = tpu.vector_load_idx %arg10[%add3A_316, %broadcast_in_dim3A_281] : memref<64x512xf32, #tpu.memory_space<vmem>>[vector<16xi32>, vector<16xi32>], vector<16xf32>,
          %add3A_318 = arith.constant 32 : i32
          %add3A_319 = arith.addi %mul3A_299, %add3A_318 : i32
          %swap3A_320 = arith.index_cast %add3A_319 : i32 to index
          %swap3A_321 = tpu.vector_load %arg11[%swap3A_320] {strides = array<i32>} : memref<1024xf32, #tpu.memory_space<vmem>>, vector<16xf32>,
          tpu.vector_store %arg11[%swap3A_320], %gather3A_317 {strides = array<i32>} : memref<1024xf32, #tpu.memory_space<vmem>>, vector<16xf32>,
          %add3A_322 = arith.constant 48 : i32
          %add3A_323 = vector.broadcast %add3A_322 : i32 to vector<16xi32>
          %add3A_324 = arith.addi %iota3A, %add3A_323 : vector<16xi32>
          %gather3A_325 = tpu.vector_load_idx %arg10[%add3A_324, %broadcast_in_dim3A_281] : memref<64x512xf32, #tpu.memory_space<vmem>>[vector<16xi32>, vector<16xi32>], vector<16xf32>,
          %add3A_326 = arith.constant 48 : i32
          %add3A_327 = arith.addi %mul3A_299, %add3A_326 : i32
          %swap3A_328 = arith.index_cast %add3A_327 : i32 to index
          %swap3A_329 = tpu.vector_load %arg11[%swap3A_328] {strides = array<i32>} : memref<1024xf32, #tpu.memory_space<vmem>>, vector<16xf32>,
          tpu.vector_store %arg11[%swap3A_328], %gather3A_325 {strides = array<i32>} : memref<1024xf32, #tpu.memory_space<vmem>>, vector<16xf32>,
          %ge3A = arith.constant 16 : i32
          %ge3A_330 = arith.cmpi sge, %while3A_275, %ge3A : i32
          %convert_element_type3A_331 = arith.extui %ge3A_330 : i1 to i32
          %cond3A_332 = arith.constant 0 : i32
          %cond3A_333 = arith.cmpi ne, %convert_element_type3A_331, %cond3A_332 : i32
          scf.if %cond3A_333 {
            %dma_wait3A_342 = arith.constant 0 : i32
            %dma_wait3A_343 = tpu.memref_slice %arg11[%dma_wait3A_342] : memref<1024xf32, #tpu.memory_space<vmem>> -> memref<64xf32, #tpu.memory_space<vmem>>
            %dma_wait3A_344 = arith.constant 0 : i32
            %dma_wait3A_345 = tpu.memref_slice %arg5[%dma_wait3A_344] : memref<1048576xf32, #tpu.memory_space<hbm>> -> memref<64xf32, #tpu.memory_space<hbm>>
            %dma_wait3A_346 = arith.constant 0 : i32
            %dma_wait3A_347 = tpu.memref_slice %arg11[%dma_wait3A_346] : memref<1024xf32, #tpu.memory_space<vmem>> -> memref<64xf32, #tpu.memory_space<vmem>>
            %dma_wait3A_348 = arith.constant 0 : i32
            %dma_wait3A_349 = tpu.memref_slice %arg5[%dma_wait3A_348] : memref<1048576xf32, #tpu.memory_space<hbm>> -> memref<64xf32, #tpu.memory_space<hbm>>
            tpu.wait_dma2 semaphore(%arg14 : memref<!tpu.dma_semaphore, #tpu.memory_space<semaphore_mem>>) src(%dma_wait3A_349 : memref<64xf32, #tpu.memory_space<hbm>>) dst(%dma_wait3A_347 : memref<64xf32, #tpu.memory_space<vmem>>)
          } else {
          }
          %mul3A_334 = arith.constant 64 : i32
          %mul3A_335 = arith.muli %and3A_278, %mul3A_334 : i32
          %dma_start3A_336 = tpu.memref_slice %arg11[%mul3A_299] : memref<1024xf32, #tpu.memory_space<vmem>> -> memref<64xf32, #tpu.memory_space<vmem>>
          %dma_start3A_337 = tpu.memref_slice %arg5[%mul3A_335] : memref<1048576xf32, #tpu.memory_space<hbm>> -> memref<64xf32, #tpu.memory_space<hbm>>
          %dma_start3A_338 = tpu.memref_slice %arg5[%mul3A_335] : memref<1048576xf32, #tpu.memory_space<hbm>> -> memref<64xf32, #tpu.memory_space<hbm>>
          %dma_start3A_339 = tpu.memref_slice %arg11[%mul3A_299] : memref<1024xf32, #tpu.memory_space<vmem>> -> memref<64xf32, #tpu.memory_space<vmem>>
          tpu.enqueue_dma source(%dma_start3A_339 : memref<64xf32, #tpu.memory_space<vmem>>) target(%dma_start3A_338 : memref<64xf32, #tpu.memory_space<hbm>>) target_semaphore(%arg14 : memref<!tpu.dma_semaphore, #tpu.memory_space<semaphore_mem>>)
          %add3A_340 = arith.constant 1 : i32
          %add3A_341 = arith.addi %while3A_275, %add3A_340 : i32
          scf.yield %add3A_341 : i32
        }
        %add3A_268 = arith.constant 2 : i32
        %add3A_269 = arith.addi %add3A_137, %add3A_268 : i32
        %lt3A_270 = arith.cmpi slt, %add3A_269, %select_n3A_46 : i32
        %convert_element_type3A_271 = arith.extui %lt3A_270 : i1 to i32
        %cond3A_272 = arith.constant 0 : i32
        %cond3A_273 = arith.cmpi ne, %convert_element_type3A_271, %cond3A_272 : i32
        scf.if %cond3A_273 {
          %add3A_274 = arith.constant 2 : i32
          %add3A_275 = arith.addi %add3A_137, %add3A_274 : i32
          %mul3A_276 = arith.constant 512 : i32
          %mul3A_277 = arith.muli %add3A_275, %mul3A_276 : i32
          %add3A_278 = arith.constant 0 : i32
          %add3A_279 = arith.addi %mul3A_277, %add3A_278 : i32
          %multiple_of3A_280 = tpu.assume_multiple %add3A_279, 128 : i32
          %dma_start3A_281 = arith.constant 0 : i32
          %dma_start3A_282 = arith.constant 0 : i32
          %dma_start3A_283 = tpu.memref_slice %arg10[%dma_start3A_281, %dma_start3A_282] : memref<64x512xf32, #tpu.memory_space<vmem>> -> memref<64x512xf32, #tpu.memory_space<vmem>>
          %dma_start3A_284 = arith.constant 0 : i32
          %dma_start3A_285 = tpu.memref_slice %arg3[%dma_start3A_284, %multiple_of3A_280] : memref<64x1000000xf32, #tpu.memory_space<hbm>> -> memref<64x512xf32, #tpu.memory_space<hbm>>
          %dma_start3A_286 = arith.constant 0 : i32
          %dma_start3A_287 = arith.constant 0 : i32
          %dma_start3A_288 = tpu.memref_slice %arg10[%dma_start3A_286, %dma_start3A_287] : memref<64x512xf32, #tpu.memory_space<vmem>> -> memref<64x512xf32, #tpu.memory_space<vmem>>
          %dma_start3A_289 = arith.constant 0 : i32
          %dma_start3A_290 = tpu.memref_slice %arg3[%dma_start3A_289, %multiple_of3A_280] : memref<64x1000000xf32, #tpu.memory_space<hbm>> -> memref<64x512xf32, #tpu.memory_space<hbm>>
          tpu.enqueue_dma source(%dma_start3A_290 : memref<64x512xf32, #tpu.memory_space<hbm>>) target(%dma_start3A_288 : memref<64x512xf32, #tpu.memory_space<vmem>>) target_semaphore(%arg16 : memref<!tpu.dma_semaphore, #tpu.memory_space<semaphore_mem>>)
        } else {
        }
        scf.yield %while3A_267 : i32
      } else {
        scf.yield %while3A_196 : i32
      }
      scf.yield %cond3A_207 : i32
    }
    %while3A_112 = arith.constant 1 : i32
    %while3A_113 = scf.for %while3A_131 = %while3A_109 to %while3A_105 step %while3A_112 iter_args(%while3A_132 = %while3A_111) -> (i32)  : i32 {
      %mul3A_133 = arith.constant 2 : i32
      %mul3A_134 = arith.muli %mul3A_133, %while3A_131 : i32
      %add3A_135 = arith.addi %select_n3A, %mul3A_134 : i32
      %add3A_136 = arith.constant 1 : i32
      %add3A_137 = arith.addi %add3A_135, %add3A_136 : i32
      %dma_wait3A = arith.constant 0 : i32
      %dma_wait3A_138 = arith.constant 0 : i32
      %dma_wait3A_139 = tpu.memref_slice %arg3[%dma_wait3A, %dma_wait3A_138] : memref<64x1000000xf32, #tpu.memory_space<hbm>> -> memref<64x512xf32, #tpu.memory_space<hbm>>
      %dma_wait3A_140 = arith.constant 0 : i32
      %dma_wait3A_141 = arith.constant 0 : i32
      %dma_wait3A_142 = tpu.memref_slice %arg3[%dma_wait3A_140, %dma_wait3A_141] : memref<64x1000000xf32, #tpu.memory_space<hbm>> -> memref<64x512xf32, #tpu.memory_space<hbm>>
      tpu.wait_dma2 semaphore(%arg15 : memref<!tpu.dma_semaphore, #tpu.memory_space<semaphore_mem>>) src(%dma_wait3A_142 : memref<64x512xf32, #tpu.memory_space<hbm>>) dst(%arg9 : memref<64x512xf32, #tpu.memory_space<vmem>>)
      %mul3A_143 = arith.constant 512 : i32
      %mul3A_144 = arith.muli %add3A_135, %mul3A_143 : i32
      %sub3A_145 = arith.subi %mul3A_144, %mul3A_48 : i32
      %add3A_146 = arith.constant 512 : i32
      %add3A_147 = arith.addi %sub3A_145, %add3A_146 : i32
      %add3A_148 = arith.constant 15 : i32
      %add3A_149 = arith.addi %scan3A_74, %add3A_148 : i32
      %jit3A_150 = arith.constant 16 : i32
      %div3A_151 = arith.divsi %add3A_149, %jit3A_150 : i32
      %sign3A_152 = arith.constant 0 : i32
      %sign3A_153 = arith.cmpi sgt, %add3A_149, %sign3A_152 : i32
      %sign3A_154 = arith.extui %sign3A_153 : i1 to i32
      %sign3A_155 = arith.constant 0 : i32
      %sign3A_156 = arith.cmpi slt, %add3A_149, %sign3A_155 : i32
      %sign3A_157 = arith.extui %sign3A_156 : i1 to i32
      %sign3A_158 = arith.subi %sign3A_154, %sign3A_157 : i32
      %sign3A_159 = arith.constant 0 : i32
      %sign3A_160 = arith.cmpi sgt, %jit3A_150, %sign3A_159 : i32
      %sign3A_161 = arith.extui %sign3A_160 : i1 to i32
      %sign3A_162 = arith.constant 0 : i32
      %sign3A_163 = arith.cmpi slt, %jit3A_150, %sign3A_162 : i32
      %sign3A_164 = arith.extui %sign3A_163 : i1 to i32
      %sign3A_165 = arith.subi %sign3A_161, %sign3A_164 : i32
      %ne3A_166 = arith.cmpi ne, %sign3A_158, %sign3A_165 : i32
      %rem3A_167 = arith.remsi %add3A_149, %jit3A_150 : i32
      %ne3A_168 = arith.constant 0 : i32
      %ne3A_169 = arith.cmpi ne, %rem3A_167, %ne3A_168 : i32
      %and3A_170 = arith.andi %ne3A_166, %ne3A_169 : i1
      %sub3A_171 = arith.constant 1 : i32
      %sub3A_172 = arith.subi %div3A_151, %sub3A_171 : i32
      %select_n3A_173 = arith.select %and3A_170, %sub3A_172, %div3A_151 : i32
      %while3A_174 = arith.constant 0 : i32
      %while3A_175 = arith.constant 0 : i32
      %while3A_176 = arith.subi %select_n3A_173, %while3A_174 : i32
      %while3A_177 = arith.addi %while3A_174, %while3A_176 : i32
      %while3A_178 = arith.constant 1 : i32
      %while3A_179 = arith.divsi %while3A_176, %while3A_178 : i32
      %while3A_180 = arith.muli %while3A_179, %while3A_178 : i32
      %while3A_181 = arith.addi %while3A_174, %while3A_180 : i32
      %while3A_182 = arith.constant 1 : i32
      %while3A_183 = scf.for %while3A_208 = %while3A_174 to %while3A_181 step %while3A_182 iter_args(%while3A_209 = %while3A_175) -> (i32)  : i32 {
        %mul3A_210 = arith.constant 16 : i32
        %mul3A_211 = arith.muli %while3A_208, %mul3A_210 : i32
        %get3A = arith.index_cast %mul3A_211 : i32 to index
        %get3A_212 = tpu.vector_load %arg7[%get3A] {strides = array<i32>} : memref<16400xi32, #tpu.memory_space<vmem>>, vector<16xi32>,
        %shift_right_logical3A = arith.constant 14 : i32
        %shift_right_logical3A_213 = vector.broadcast %shift_right_logical3A : i32 to vector<16xi32>
        %shift_right_logical3A_214 = arith.shrui %get3A_212, %shift_right_logical3A_213 : vector<16xi32>
        %mul3A_215 = arith.constant 16 : i32
        %mul3A_216 = arith.muli %while3A_208, %mul3A_215 : i32
        %add3A_217 = vector.broadcast %mul3A_216 : i32 to vector<16xi32>
        %add3A_218 = arith.addi %iota3A, %add3A_217 : vector<16xi32>
        %lt3A_219 = arith.cmpi slt, %add3A_218, %broadcast_in_dim3A : vector<16xi32>
        %ge3A = vector.broadcast %sub3A_145 : i32 to vector<16xi32>
        %ge3A_220 = arith.cmpi sge, %shift_right_logical3A_214, %ge3A : vector<16xi32>
        %and3A_221 = arith.andi %lt3A_219, %ge3A_220 : vector<16xi1>
        %lt3A_222 = vector.broadcast %add3A_147 : i32 to vector<16xi32>
        %lt3A_223 = arith.cmpi slt, %shift_right_logical3A_214, %lt3A_222 : vector<16xi32>
        %and3A_224 = arith.andi %and3A_221, %lt3A_223 : vector<16xi1>
        %swap3A = arith.index_cast %while3A_209 : i32 to index
        %swap3A_225 = tpu.vector_load %arg8[%swap3A] masked %and3A_224 {strides = array<i32>} : memref<16400xi32, #tpu.memory_space<vmem>>, vector<16xi32>, vector<16xi1>
        tpu.vector_store %arg8[%swap3A], %get3A_212 masked %and3A_224 {strides = array<i32>} : memref<16400xi32, #tpu.memory_space<vmem>>, vector<16xi32>, vector<16xi1>
        %all_reduce_population_count3A = tpu.all_reduce %and3A_224 {dim = 0 : i64, kind = #tpu.reduction_kind<sum>} : vector<16xi1> -> vector<16xi32>
        %slice3A = vector.extract_strided_slice %all_reduce_population_count3A {offsets = [0], sizes = [1], strides = [1]} : vector<16xi32> to vector<1xi32>
        %squeeze3A = vector.extract %slice3A[0] : i32 from vector<1xi32>
        %add3A_226 = arith.addi %while3A_209, %squeeze3A : i32
        scf.yield %add3A_226 : i32
      }
      %while3A_184 = arith.constant 1 : i32
      %while3A_185 = scf.for %while3A_208 = %while3A_181 to %while3A_177 step %while3A_184 iter_args(%while3A_209 = %while3A_183) -> (i32)  : i32 {
        %mul3A_210 = arith.constant 16 : i32
        %mul3A_211 = arith.muli %while3A_208, %mul3A_210 : i32
        %get3A = arith.index_cast %mul3A_211 : i32 to index
        %get3A_212 = tpu.vector_load %arg7[%get3A] {strides = array<i32>} : memref<16400xi32, #tpu.memory_space<vmem>>, vector<16xi32>,
        %shift_right_logical3A = arith.constant 14 : i32
        %shift_right_logical3A_213 = vector.broadcast %shift_right_logical3A : i32 to vector<16xi32>
        %shift_right_logical3A_214 = arith.shrui %get3A_212, %shift_right_logical3A_213 : vector<16xi32>
        %mul3A_215 = arith.constant 16 : i32
        %mul3A_216 = arith.muli %while3A_208, %mul3A_215 : i32
        %add3A_217 = vector.broadcast %mul3A_216 : i32 to vector<16xi32>
        %add3A_218 = arith.addi %iota3A, %add3A_217 : vector<16xi32>
        %lt3A_219 = arith.cmpi slt, %add3A_218, %broadcast_in_dim3A : vector<16xi32>
        %ge3A = vector.broadcast %sub3A_145 : i32 to vector<16xi32>
        %ge3A_220 = arith.cmpi sge, %shift_right_logical3A_214, %ge3A : vector<16xi32>
        %and3A_221 = arith.andi %lt3A_219, %ge3A_220 : vector<16xi1>
        %lt3A_222 = vector.broadcast %add3A_147 : i32 to vector<16xi32>
        %lt3A_223 = arith.cmpi slt, %shift_right_logical3A_214, %lt3A_222 : vector<16xi32>
        %and3A_224 = arith.andi %and3A_221, %lt3A_223 : vector<16xi1>
        %swap3A = arith.index_cast %while3A_209 : i32 to index
        %swap3A_225 = tpu.vector_load %arg8[%swap3A] masked %and3A_224 {strides = array<i32>} : memref<16400xi32, #tpu.memory_space<vmem>>, vector<16xi32>, vector<16xi1>
        tpu.vector_store %arg8[%swap3A], %get3A_212 masked %and3A_224 {strides = array<i32>} : memref<16400xi32, #tpu.memory_space<vmem>>, vector<16xi32>, vector<16xi1>
        %all_reduce_population_count3A = tpu.all_reduce %and3A_224 {dim = 0 : i64, kind = #tpu.reduction_kind<sum>} : vector<16xi1> -> vector<16xi32>
        %slice3A = vector.extract_strided_slice %all_reduce_population_count3A {offsets = [0], sizes = [1], strides = [1]} : vector<16xi32> to vector<1xi32>
        %squeeze3A = vector.extract %slice3A[0] : i32 from vector<1xi32>
        %add3A_226 = arith.addi %while3A_209, %squeeze3A : i32
        scf.yield %add3A_226 : i32
      }
      %while3A_186 = arith.constant 0 : i32
      %while3A_187 = arith.subi %while3A_185, %while3A_186 : i32
      %while3A_188 = arith.addi %while3A_186, %while3A_187 : i32
      %while3A_189 = arith.constant 1 : i32
      %while3A_190 = arith.divsi %while3A_187, %while3A_189 : i32
      %while3A_191 = arith.muli %while3A_190, %while3A_189 : i32
      %while3A_192 = arith.addi %while3A_186, %while3A_191 : i32
      %while3A_193 = arith.constant 1 : i32
      %while3A_194 = scf.for %while3A_208 = %while3A_186 to %while3A_192 step %while3A_193 iter_args(%while3A_209 = %while3A_132) -> (i32)  : i32 {
        %get3A = arith.index_cast %while3A_208 : i32 to index
        %get3A_210 = tpu.vector_load %arg8[%get3A] {strides = array<i32>} : memref<16400xi32, #tpu.memory_space<vmem>>, vector<16xi32>,
        %slice3A = vector.extract_strided_slice %get3A_210 {offsets = [0], sizes = [1], strides = [1]} : vector<16xi32> to vector<1xi32>
        %squeeze3A = vector.extract %slice3A[0] : i32 from vector<1xi32>
        %and3A_211 = arith.constant 16383 : i32
        %and3A_212 = arith.andi %squeeze3A, %and3A_211 : i32
        %shift_right_logical3A = arith.constant 14 : i32
        %shift_right_logical3A_213 = arith.shrui %squeeze3A, %shift_right_logical3A : i32
        %sub3A_214 = arith.subi %shift_right_logical3A_213, %sub3A_145 : i32
        %broadcast_in_dim3A_215 = vector.broadcast %sub3A_214 : i32 to vector<16xi32>
        %jit3A_216 = arith.constant 16 : i32
        %eq3A_217 = arith.constant 0 : i32
        %eq3A_218 = arith.cmpi eq, %jit3A_216, %eq3A_217 : i32
        %jit3A_219 = arith.constant 1 : i32
        %select_n3A_220 = arith.select %eq3A_218, %jit3A_219, %jit3A_216 : i32
        %rem3A_221 = arith.remsi %while3A_209, %select_n3A_220 : i32
        %ne3A_222 = arith.constant 0 : i32
        %ne3A_223 = arith.cmpi ne, %rem3A_221, %ne3A_222 : i32
        %lt3A_224 = arith.constant 0 : i32
        %lt3A_225 = arith.cmpi slt, %rem3A_221, %lt3A_224 : i32
        %lt3A_226 = arith.constant 0 : i32
        %lt3A_227 = arith.cmpi slt, %select_n3A_220, %lt3A_226 : i32
        %ne3A_228 = arith.xori %lt3A_225, %lt3A_227 : i1
        %and3A_229 = arith.andi %ne3A_228, %ne3A_223 : i1
        %add3A_230 = arith.addi %rem3A_221, %select_n3A_220 : i32
        %select_n3A_231 = arith.select %and3A_229, %add3A_230, %rem3A_221 : i32
        %mul3A_232 = arith.constant 64 : i32
        %mul3A_233 = arith.muli %select_n3A_231, %mul3A_232 : i32
        %add3A_234 = arith.constant 0 : i32
        %add3A_235 = vector.broadcast %add3A_234 : i32 to vector<16xi32>
        %add3A_236 = arith.addi %iota3A, %add3A_235 : vector<16xi32>
        %gather3A = tpu.vector_load_idx %arg9[%add3A_236, %broadcast_in_dim3A_215] : memref<64x512xf32, #tpu.memory_space<vmem>>[vector<16xi32>, vector<16xi32>], vector<16xf32>,
        %add3A_237 = arith.constant 0 : i32
        %add3A_238 = arith.addi %mul3A_233, %add3A_237 : i32
        %swap3A = arith.index_cast %add3A_238 : i32 to index
        %swap3A_239 = tpu.vector_load %arg11[%swap3A] {strides = array<i32>} : memref<1024xf32, #tpu.memory_space<vmem>>, vector<16xf32>,
        tpu.vector_store %arg11[%swap3A], %gather3A {strides = array<i32>} : memref<1024xf32, #tpu.memory_space<vmem>>, vector<16xf32>,
        %add3A_240 = arith.constant 16 : i32
        %add3A_241 = vector.broadcast %add3A_240 : i32 to vector<16xi32>
        %add3A_242 = arith.addi %iota3A, %add3A_241 : vector<16xi32>
        %gather3A_243 = tpu.vector_load_idx %arg9[%add3A_242, %broadcast_in_dim3A_215] : memref<64x512xf32, #tpu.memory_space<vmem>>[vector<16xi32>, vector<16xi32>], vector<16xf32>,
        %add3A_244 = arith.constant 16 : i32
        %add3A_245 = arith.addi %mul3A_233, %add3A_244 : i32
        %swap3A_246 = arith.index_cast %add3A_245 : i32 to index
        %swap3A_247 = tpu.vector_load %arg11[%swap3A_246] {strides = array<i32>} : memref<1024xf32, #tpu.memory_space<vmem>>, vector<16xf32>,
        tpu.vector_store %arg11[%swap3A_246], %gather3A_243 {strides = array<i32>} : memref<1024xf32, #tpu.memory_space<vmem>>, vector<16xf32>,
        %add3A_248 = arith.constant 32 : i32
        %add3A_249 = vector.broadcast %add3A_248 : i32 to vector<16xi32>
        %add3A_250 = arith.addi %iota3A, %add3A_249 : vector<16xi32>
        %gather3A_251 = tpu.vector_load_idx %arg9[%add3A_250, %broadcast_in_dim3A_215] : memref<64x512xf32, #tpu.memory_space<vmem>>[vector<16xi32>, vector<16xi32>], vector<16xf32>,
        %add3A_252 = arith.constant 32 : i32
        %add3A_253 = arith.addi %mul3A_233, %add3A_252 : i32
        %swap3A_254 = arith.index_cast %add3A_253 : i32 to index
        %swap3A_255 = tpu.vector_load %arg11[%swap3A_254] {strides = array<i32>} : memref<1024xf32, #tpu.memory_space<vmem>>, vector<16xf32>,
        tpu.vector_store %arg11[%swap3A_254], %gather3A_251 {strides = array<i32>} : memref<1024xf32, #tpu.memory_space<vmem>>, vector<16xf32>,
        %add3A_256 = arith.constant 48 : i32
        %add3A_257 = vector.broadcast %add3A_256 : i32 to vector<16xi32>
        %add3A_258 = arith.addi %iota3A, %add3A_257 : vector<16xi32>
        %gather3A_259 = tpu.vector_load_idx %arg9[%add3A_258, %broadcast_in_dim3A_215] : memref<64x512xf32, #tpu.memory_space<vmem>>[vector<16xi32>, vector<16xi32>], vector<16xf32>,
        %add3A_260 = arith.constant 48 : i32
        %add3A_261 = arith.addi %mul3A_233, %add3A_260 : i32
        %swap3A_262 = arith.index_cast %add3A_261 : i32 to index
        %swap3A_263 = tpu.vector_load %arg11[%swap3A_262] {strides = array<i32>} : memref<1024xf32, #tpu.memory_space<vmem>>, vector<16xf32>,
        tpu.vector_store %arg11[%swap3A_262], %gather3A_259 {strides = array<i32>} : memref<1024xf32, #tpu.memory_space<vmem>>, vector<16xf32>,
        %ge3A = arith.constant 16 : i32
        %ge3A_264 = arith.cmpi sge, %while3A_209, %ge3A : i32
        %convert_element_type3A_265 = arith.extui %ge3A_264 : i1 to i32
        %cond3A_266 = arith.constant 0 : i32
        %cond3A_267 = arith.cmpi ne, %convert_element_type3A_265, %cond3A_266 : i32
        scf.if %cond3A_267 {
          %dma_wait3A_276 = arith.constant 0 : i32
          %dma_wait3A_277 = tpu.memref_slice %arg11[%dma_wait3A_276] : memref<1024xf32, #tpu.memory_space<vmem>> -> memref<64xf32, #tpu.memory_space<vmem>>
          %dma_wait3A_278 = arith.constant 0 : i32
          %dma_wait3A_279 = tpu.memref_slice %arg5[%dma_wait3A_278] : memref<1048576xf32, #tpu.memory_space<hbm>> -> memref<64xf32, #tpu.memory_space<hbm>>
          %dma_wait3A_280 = arith.constant 0 : i32
          %dma_wait3A_281 = tpu.memref_slice %arg11[%dma_wait3A_280] : memref<1024xf32, #tpu.memory_space<vmem>> -> memref<64xf32, #tpu.memory_space<vmem>>
          %dma_wait3A_282 = arith.constant 0 : i32
          %dma_wait3A_283 = tpu.memref_slice %arg5[%dma_wait3A_282] : memref<1048576xf32, #tpu.memory_space<hbm>> -> memref<64xf32, #tpu.memory_space<hbm>>
          tpu.wait_dma2 semaphore(%arg14 : memref<!tpu.dma_semaphore, #tpu.memory_space<semaphore_mem>>) src(%dma_wait3A_283 : memref<64xf32, #tpu.memory_space<hbm>>) dst(%dma_wait3A_281 : memref<64xf32, #tpu.memory_space<vmem>>)
        } else {
        }
        %mul3A_268 = arith.constant 64 : i32
        %mul3A_269 = arith.muli %and3A_212, %mul3A_268 : i32
        %dma_start3A_270 = tpu.memref_slice %arg11[%mul3A_233] : memref<1024xf32, #tpu.memory_space<vmem>> -> memref<64xf32, #tpu.memory_space<vmem>>
        %dma_start3A_271 = tpu.memref_slice %arg5[%mul3A_269] : memref<1048576xf32, #tpu.memory_space<hbm>> -> memref<64xf32, #tpu.memory_space<hbm>>
        %dma_start3A_272 = tpu.memref_slice %arg5[%mul3A_269] : memref<1048576xf32, #tpu.memory_space<hbm>> -> memref<64xf32, #tpu.memory_space<hbm>>
        %dma_start3A_273 = tpu.memref_slice %arg11[%mul3A_233] : memref<1024xf32, #tpu.memory_space<vmem>> -> memref<64xf32, #tpu.memory_space<vmem>>
        tpu.enqueue_dma source(%dma_start3A_273 : memref<64xf32, #tpu.memory_space<vmem>>) target(%dma_start3A_272 : memref<64xf32, #tpu.memory_space<hbm>>) target_semaphore(%arg14 : memref<!tpu.dma_semaphore, #tpu.memory_space<semaphore_mem>>)
        %add3A_274 = arith.constant 1 : i32
        %add3A_275 = arith.addi %while3A_209, %add3A_274 : i32
        scf.yield %add3A_275 : i32
      }
      %while3A_195 = arith.constant 1 : i32
      %while3A_196 = scf.for %while3A_208 = %while3A_192 to %while3A_188 step %while3A_195 iter_args(%while3A_209 = %while3A_194) -> (i32)  : i32 {
        %get3A = arith.index_cast %while3A_208 : i32 to index
        %get3A_210 = tpu.vector_load %arg8[%get3A] {strides = array<i32>} : memref<16400xi32, #tpu.memory_space<vmem>>, vector<16xi32>,
        %slice3A = vector.extract_strided_slice %get3A_210 {offsets = [0], sizes = [1], strides = [1]} : vector<16xi32> to vector<1xi32>
        %squeeze3A = vector.extract %slice3A[0] : i32 from vector<1xi32>
        %and3A_211 = arith.constant 16383 : i32
        %and3A_212 = arith.andi %squeeze3A, %and3A_211 : i32
        %shift_right_logical3A = arith.constant 14 : i32
        %shift_right_logical3A_213 = arith.shrui %squeeze3A, %shift_right_logical3A : i32
        %sub3A_214 = arith.subi %shift_right_logical3A_213, %sub3A_145 : i32
        %broadcast_in_dim3A_215 = vector.broadcast %sub3A_214 : i32 to vector<16xi32>
        %jit3A_216 = arith.constant 16 : i32
        %eq3A_217 = arith.constant 0 : i32
        %eq3A_218 = arith.cmpi eq, %jit3A_216, %eq3A_217 : i32
        %jit3A_219 = arith.constant 1 : i32
        %select_n3A_220 = arith.select %eq3A_218, %jit3A_219, %jit3A_216 : i32
        %rem3A_221 = arith.remsi %while3A_209, %select_n3A_220 : i32
        %ne3A_222 = arith.constant 0 : i32
        %ne3A_223 = arith.cmpi ne, %rem3A_221, %ne3A_222 : i32
        %lt3A_224 = arith.constant 0 : i32
        %lt3A_225 = arith.cmpi slt, %rem3A_221, %lt3A_224 : i32
        %lt3A_226 = arith.constant 0 : i32
        %lt3A_227 = arith.cmpi slt, %select_n3A_220, %lt3A_226 : i32
        %ne3A_228 = arith.xori %lt3A_225, %lt3A_227 : i1
        %and3A_229 = arith.andi %ne3A_228, %ne3A_223 : i1
        %add3A_230 = arith.addi %rem3A_221, %select_n3A_220 : i32
        %select_n3A_231 = arith.select %and3A_229, %add3A_230, %rem3A_221 : i32
        %mul3A_232 = arith.constant 64 : i32
        %mul3A_233 = arith.muli %select_n3A_231, %mul3A_232 : i32
        %add3A_234 = arith.constant 0 : i32
        %add3A_235 = vector.broadcast %add3A_234 : i32 to vector<16xi32>
        %add3A_236 = arith.addi %iota3A, %add3A_235 : vector<16xi32>
        %gather3A = tpu.vector_load_idx %arg9[%add3A_236, %broadcast_in_dim3A_215] : memref<64x512xf32, #tpu.memory_space<vmem>>[vector<16xi32>, vector<16xi32>], vector<16xf32>,
        %add3A_237 = arith.constant 0 : i32
        %add3A_238 = arith.addi %mul3A_233, %add3A_237 : i32
        %swap3A = arith.index_cast %add3A_238 : i32 to index
        %swap3A_239 = tpu.vector_load %arg11[%swap3A] {strides = array<i32>} : memref<1024xf32, #tpu.memory_space<vmem>>, vector<16xf32>,
        tpu.vector_store %arg11[%swap3A], %gather3A {strides = array<i32>} : memref<1024xf32, #tpu.memory_space<vmem>>, vector<16xf32>,
        %add3A_240 = arith.constant 16 : i32
        %add3A_241 = vector.broadcast %add3A_240 : i32 to vector<16xi32>
        %add3A_242 = arith.addi %iota3A, %add3A_241 : vector<16xi32>
        %gather3A_243 = tpu.vector_load_idx %arg9[%add3A_242, %broadcast_in_dim3A_215] : memref<64x512xf32, #tpu.memory_space<vmem>>[vector<16xi32>, vector<16xi32>], vector<16xf32>,
        %add3A_244 = arith.constant 16 : i32
        %add3A_245 = arith.addi %mul3A_233, %add3A_244 : i32
        %swap3A_246 = arith.index_cast %add3A_245 : i32 to index
        %swap3A_247 = tpu.vector_load %arg11[%swap3A_246] {strides = array<i32>} : memref<1024xf32, #tpu.memory_space<vmem>>, vector<16xf32>,
        tpu.vector_store %arg11[%swap3A_246], %gather3A_243 {strides = array<i32>} : memref<1024xf32, #tpu.memory_space<vmem>>, vector<16xf32>,
        %add3A_248 = arith.constant 32 : i32
        %add3A_249 = vector.broadcast %add3A_248 : i32 to vector<16xi32>
        %add3A_250 = arith.addi %iota3A, %add3A_249 : vector<16xi32>
        %gather3A_251 = tpu.vector_load_idx %arg9[%add3A_250, %broadcast_in_dim3A_215] : memref<64x512xf32, #tpu.memory_space<vmem>>[vector<16xi32>, vector<16xi32>], vector<16xf32>,
        %add3A_252 = arith.constant 32 : i32
        %add3A_253 = arith.addi %mul3A_233, %add3A_252 : i32
        %swap3A_254 = arith.index_cast %add3A_253 : i32 to index
        %swap3A_255 = tpu.vector_load %arg11[%swap3A_254] {strides = array<i32>} : memref<1024xf32, #tpu.memory_space<vmem>>, vector<16xf32>,
        tpu.vector_store %arg11[%swap3A_254], %gather3A_251 {strides = array<i32>} : memref<1024xf32, #tpu.memory_space<vmem>>, vector<16xf32>,
        %add3A_256 = arith.constant 48 : i32
        %add3A_257 = vector.broadcast %add3A_256 : i32 to vector<16xi32>
        %add3A_258 = arith.addi %iota3A, %add3A_257 : vector<16xi32>
        %gather3A_259 = tpu.vector_load_idx %arg9[%add3A_258, %broadcast_in_dim3A_215] : memref<64x512xf32, #tpu.memory_space<vmem>>[vector<16xi32>, vector<16xi32>], vector<16xf32>,
        %add3A_260 = arith.constant 48 : i32
        %add3A_261 = arith.addi %mul3A_233, %add3A_260 : i32
        %swap3A_262 = arith.index_cast %add3A_261 : i32 to index
        %swap3A_263 = tpu.vector_load %arg11[%swap3A_262] {strides = array<i32>} : memref<1024xf32, #tpu.memory_space<vmem>>, vector<16xf32>,
        tpu.vector_store %arg11[%swap3A_262], %gather3A_259 {strides = array<i32>} : memref<1024xf32, #tpu.memory_space<vmem>>, vector<16xf32>,
        %ge3A = arith.constant 16 : i32
        %ge3A_264 = arith.cmpi sge, %while3A_209, %ge3A : i32
        %convert_element_type3A_265 = arith.extui %ge3A_264 : i1 to i32
        %cond3A_266 = arith.constant 0 : i32
        %cond3A_267 = arith.cmpi ne, %convert_element_type3A_265, %cond3A_266 : i32
        scf.if %cond3A_267 {
          %dma_wait3A_276 = arith.constant 0 : i32
          %dma_wait3A_277 = tpu.memref_slice %arg11[%dma_wait3A_276] : memref<1024xf32, #tpu.memory_space<vmem>> -> memref<64xf32, #tpu.memory_space<vmem>>
          %dma_wait3A_278 = arith.constant 0 : i32
          %dma_wait3A_279 = tpu.memref_slice %arg5[%dma_wait3A_278] : memref<1048576xf32, #tpu.memory_space<hbm>> -> memref<64xf32, #tpu.memory_space<hbm>>
          %dma_wait3A_280 = arith.constant 0 : i32
          %dma_wait3A_281 = tpu.memref_slice %arg11[%dma_wait3A_280] : memref<1024xf32, #tpu.memory_space<vmem>> -> memref<64xf32, #tpu.memory_space<vmem>>
          %dma_wait3A_282 = arith.constant 0 : i32
          %dma_wait3A_283 = tpu.memref_slice %arg5[%dma_wait3A_282] : memref<1048576xf32, #tpu.memory_space<hbm>> -> memref<64xf32, #tpu.memory_space<hbm>>
          tpu.wait_dma2 semaphore(%arg14 : memref<!tpu.dma_semaphore, #tpu.memory_space<semaphore_mem>>) src(%dma_wait3A_283 : memref<64xf32, #tpu.memory_space<hbm>>) dst(%dma_wait3A_281 : memref<64xf32, #tpu.memory_space<vmem>>)
        } else {
        }
        %mul3A_268 = arith.constant 64 : i32
        %mul3A_269 = arith.muli %and3A_212, %mul3A_268 : i32
        %dma_start3A_270 = tpu.memref_slice %arg11[%mul3A_233] : memref<1024xf32, #tpu.memory_space<vmem>> -> memref<64xf32, #tpu.memory_space<vmem>>
        %dma_start3A_271 = tpu.memref_slice %arg5[%mul3A_269] : memref<1048576xf32, #tpu.memory_space<hbm>> -> memref<64xf32, #tpu.memory_space<hbm>>
        %dma_start3A_272 = tpu.memref_slice %arg5[%mul3A_269] : memref<1048576xf32, #tpu.memory_space<hbm>> -> memref<64xf32, #tpu.memory_space<hbm>>
        %dma_start3A_273 = tpu.memref_slice %arg11[%mul3A_233] : memref<1024xf32, #tpu.memory_space<vmem>> -> memref<64xf32, #tpu.memory_space<vmem>>
        tpu.enqueue_dma source(%dma_start3A_273 : memref<64xf32, #tpu.memory_space<vmem>>) target(%dma_start3A_272 : memref<64xf32, #tpu.memory_space<hbm>>) target_semaphore(%arg14 : memref<!tpu.dma_semaphore, #tpu.memory_space<semaphore_mem>>)
        %add3A_274 = arith.constant 1 : i32
        %add3A_275 = arith.addi %while3A_209, %add3A_274 : i32
        scf.yield %add3A_275 : i32
      }
      %add3A_197 = arith.constant 2 : i32
      %add3A_198 = arith.addi %add3A_135, %add3A_197 : i32
      %lt3A_199 = arith.cmpi slt, %add3A_198, %select_n3A_46 : i32
      %convert_element_type3A_200 = arith.extui %lt3A_199 : i1 to i32
      %cond3A_201 = arith.constant 0 : i32
      %cond3A_202 = arith.cmpi ne, %convert_element_type3A_200, %cond3A_201 : i32
      scf.if %cond3A_202 {
        %add3A_208 = arith.constant 2 : i32
        %add3A_209 = arith.addi %add3A_135, %add3A_208 : i32
        %mul3A_210 = arith.constant 512 : i32
        %mul3A_211 = arith.muli %add3A_209, %mul3A_210 : i32
        %add3A_212 = arith.constant 0 : i32
        %add3A_213 = arith.addi %mul3A_211, %add3A_212 : i32
        %multiple_of3A_214 = tpu.assume_multiple %add3A_213, 128 : i32
        %dma_start3A_215 = arith.constant 0 : i32
        %dma_start3A_216 = arith.constant 0 : i32
        %dma_start3A_217 = tpu.memref_slice %arg9[%dma_start3A_215, %dma_start3A_216] : memref<64x512xf32, #tpu.memory_space<vmem>> -> memref<64x512xf32, #tpu.memory_space<vmem>>
        %dma_start3A_218 = arith.constant 0 : i32
        %dma_start3A_219 = tpu.memref_slice %arg3[%dma_start3A_218, %multiple_of3A_214] : memref<64x1000000xf32, #tpu.memory_space<hbm>> -> memref<64x512xf32, #tpu.memory_space<hbm>>
        %dma_start3A_220 = arith.constant 0 : i32
        %dma_start3A_221 = arith.constant 0 : i32
        %dma_start3A_222 = tpu.memref_slice %arg9[%dma_start3A_220, %dma_start3A_221] : memref<64x512xf32, #tpu.memory_space<vmem>> -> memref<64x512xf32, #tpu.memory_space<vmem>>
        %dma_start3A_223 = arith.constant 0 : i32
        %dma_start3A_224 = tpu.memref_slice %arg3[%dma_start3A_223, %multiple_of3A_214] : memref<64x1000000xf32, #tpu.memory_space<hbm>> -> memref<64x512xf32, #tpu.memory_space<hbm>>
        tpu.enqueue_dma source(%dma_start3A_224 : memref<64x512xf32, #tpu.memory_space<hbm>>) target(%dma_start3A_222 : memref<64x512xf32, #tpu.memory_space<vmem>>) target_semaphore(%arg15 : memref<!tpu.dma_semaphore, #tpu.memory_space<semaphore_mem>>)
      } else {
      }
      %lt3A_203 = arith.cmpi slt, %add3A_137, %select_n3A_46 : i32
      %convert_element_type3A_204 = arith.extui %lt3A_203 : i1 to i32
      %cond3A_205 = arith.constant 0 : i32
      %cond3A_206 = arith.cmpi ne, %convert_element_type3A_204, %cond3A_205 : i32
      %cond3A_207 = scf.if %cond3A_206 -> (i32) {
        %dma_wait3A_208 = arith.constant 0 : i32
        %dma_wait3A_209 = arith.constant 0 : i32
        %dma_wait3A_210 = tpu.memref_slice %arg3[%dma_wait3A_208, %dma_wait3A_209] : memref<64x1000000xf32, #tpu.memory_space<hbm>> -> memref<64x512xf32, #tpu.memory_space<hbm>>
        %dma_wait3A_211 = arith.constant 0 : i32
        %dma_wait3A_212 = arith.constant 0 : i32
        %dma_wait3A_213 = tpu.memref_slice %arg3[%dma_wait3A_211, %dma_wait3A_212] : memref<64x1000000xf32, #tpu.memory_space<hbm>> -> memref<64x512xf32, #tpu.memory_space<hbm>>
        tpu.wait_dma2 semaphore(%arg16 : memref<!tpu.dma_semaphore, #tpu.memory_space<semaphore_mem>>) src(%dma_wait3A_213 : memref<64x512xf32, #tpu.memory_space<hbm>>) dst(%arg10 : memref<64x512xf32, #tpu.memory_space<vmem>>)
        %mul3A_214 = arith.constant 512 : i32
        %mul3A_215 = arith.muli %add3A_137, %mul3A_214 : i32
        %sub3A_216 = arith.subi %mul3A_215, %mul3A_48 : i32
        %add3A_217 = arith.constant 512 : i32
        %add3A_218 = arith.addi %sub3A_216, %add3A_217 : i32
        %add3A_219 = arith.constant 15 : i32
        %add3A_220 = arith.addi %scan3A_74, %add3A_219 : i32
        %jit3A_221 = arith.constant 16 : i32
        %div3A_222 = arith.divsi %add3A_220, %jit3A_221 : i32
        %sign3A_223 = arith.constant 0 : i32
        %sign3A_224 = arith.cmpi sgt, %add3A_220, %sign3A_223 : i32
        %sign3A_225 = arith.extui %sign3A_224 : i1 to i32
        %sign3A_226 = arith.constant 0 : i32
        %sign3A_227 = arith.cmpi slt, %add3A_220, %sign3A_226 : i32
        %sign3A_228 = arith.extui %sign3A_227 : i1 to i32
        %sign3A_229 = arith.subi %sign3A_225, %sign3A_228 : i32
        %sign3A_230 = arith.constant 0 : i32
        %sign3A_231 = arith.cmpi sgt, %jit3A_221, %sign3A_230 : i32
        %sign3A_232 = arith.extui %sign3A_231 : i1 to i32
        %sign3A_233 = arith.constant 0 : i32
        %sign3A_234 = arith.cmpi slt, %jit3A_221, %sign3A_233 : i32
        %sign3A_235 = arith.extui %sign3A_234 : i1 to i32
        %sign3A_236 = arith.subi %sign3A_232, %sign3A_235 : i32
        %ne3A_237 = arith.cmpi ne, %sign3A_229, %sign3A_236 : i32
        %rem3A_238 = arith.remsi %add3A_220, %jit3A_221 : i32
        %ne3A_239 = arith.constant 0 : i32
        %ne3A_240 = arith.cmpi ne, %rem3A_238, %ne3A_239 : i32
        %and3A_241 = arith.andi %ne3A_237, %ne3A_240 : i1
        %sub3A_242 = arith.constant 1 : i32
        %sub3A_243 = arith.subi %div3A_222, %sub3A_242 : i32
        %select_n3A_244 = arith.select %and3A_241, %sub3A_243, %div3A_222 : i32
        %while3A_245 = arith.constant 0 : i32
        %while3A_246 = arith.constant 0 : i32
        %while3A_247 = arith.subi %select_n3A_244, %while3A_245 : i32
        %while3A_248 = arith.addi %while3A_245, %while3A_247 : i32
        %while3A_249 = arith.constant 1 : i32
        %while3A_250 = arith.divsi %while3A_247, %while3A_249 : i32
        %while3A_251 = arith.muli %while3A_250, %while3A_249 : i32
        %while3A_252 = arith.addi %while3A_245, %while3A_251 : i32
        %while3A_253 = arith.constant 1 : i32
        %while3A_254 = scf.for %while3A_274 = %while3A_245 to %while3A_252 step %while3A_253 iter_args(%while3A_275 = %while3A_246) -> (i32)  : i32 {
          %mul3A_276 = arith.constant 16 : i32
          %mul3A_277 = arith.muli %while3A_274, %mul3A_276 : i32
          %get3A = arith.index_cast %mul3A_277 : i32 to index
          %get3A_278 = tpu.vector_load %arg7[%get3A] {strides = array<i32>} : memref<16400xi32, #tpu.memory_space<vmem>>, vector<16xi32>,
          %shift_right_logical3A = arith.constant 14 : i32
          %shift_right_logical3A_279 = vector.broadcast %shift_right_logical3A : i32 to vector<16xi32>
          %shift_right_logical3A_280 = arith.shrui %get3A_278, %shift_right_logical3A_279 : vector<16xi32>
          %mul3A_281 = arith.constant 16 : i32
          %mul3A_282 = arith.muli %while3A_274, %mul3A_281 : i32
          %add3A_283 = vector.broadcast %mul3A_282 : i32 to vector<16xi32>
          %add3A_284 = arith.addi %iota3A, %add3A_283 : vector<16xi32>
          %lt3A_285 = arith.cmpi slt, %add3A_284, %broadcast_in_dim3A : vector<16xi32>
          %ge3A = vector.broadcast %sub3A_216 : i32 to vector<16xi32>
          %ge3A_286 = arith.cmpi sge, %shift_right_logical3A_280, %ge3A : vector<16xi32>
          %and3A_287 = arith.andi %lt3A_285, %ge3A_286 : vector<16xi1>
          %lt3A_288 = vector.broadcast %add3A_218 : i32 to vector<16xi32>
          %lt3A_289 = arith.cmpi slt, %shift_right_logical3A_280, %lt3A_288 : vector<16xi32>
          %and3A_290 = arith.andi %and3A_287, %lt3A_289 : vector<16xi1>
          %swap3A = arith.index_cast %while3A_275 : i32 to index
          %swap3A_291 = tpu.vector_load %arg8[%swap3A] masked %and3A_290 {strides = array<i32>} : memref<16400xi32, #tpu.memory_space<vmem>>, vector<16xi32>, vector<16xi1>
          tpu.vector_store %arg8[%swap3A], %get3A_278 masked %and3A_290 {strides = array<i32>} : memref<16400xi32, #tpu.memory_space<vmem>>, vector<16xi32>, vector<16xi1>
          %all_reduce_population_count3A = tpu.all_reduce %and3A_290 {dim = 0 : i64, kind = #tpu.reduction_kind<sum>} : vector<16xi1> -> vector<16xi32>
          %slice3A = vector.extract_strided_slice %all_reduce_population_count3A {offsets = [0], sizes = [1], strides = [1]} : vector<16xi32> to vector<1xi32>
          %squeeze3A = vector.extract %slice3A[0] : i32 from vector<1xi32>
          %add3A_292 = arith.addi %while3A_275, %squeeze3A : i32
          scf.yield %add3A_292 : i32
        }
        %while3A_255 = arith.constant 1 : i32
        %while3A_256 = scf.for %while3A_274 = %while3A_252 to %while3A_248 step %while3A_255 iter_args(%while3A_275 = %while3A_254) -> (i32)  : i32 {
          %mul3A_276 = arith.constant 16 : i32
          %mul3A_277 = arith.muli %while3A_274, %mul3A_276 : i32
          %get3A = arith.index_cast %mul3A_277 : i32 to index
          %get3A_278 = tpu.vector_load %arg7[%get3A] {strides = array<i32>} : memref<16400xi32, #tpu.memory_space<vmem>>, vector<16xi32>,
          %shift_right_logical3A = arith.constant 14 : i32
          %shift_right_logical3A_279 = vector.broadcast %shift_right_logical3A : i32 to vector<16xi32>
          %shift_right_logical3A_280 = arith.shrui %get3A_278, %shift_right_logical3A_279 : vector<16xi32>
          %mul3A_281 = arith.constant 16 : i32
          %mul3A_282 = arith.muli %while3A_274, %mul3A_281 : i32
          %add3A_283 = vector.broadcast %mul3A_282 : i32 to vector<16xi32>
          %add3A_284 = arith.addi %iota3A, %add3A_283 : vector<16xi32>
          %lt3A_285 = arith.cmpi slt, %add3A_284, %broadcast_in_dim3A : vector<16xi32>
          %ge3A = vector.broadcast %sub3A_216 : i32 to vector<16xi32>
          %ge3A_286 = arith.cmpi sge, %shift_right_logical3A_280, %ge3A : vector<16xi32>
          %and3A_287 = arith.andi %lt3A_285, %ge3A_286 : vector<16xi1>
          %lt3A_288 = vector.broadcast %add3A_218 : i32 to vector<16xi32>
          %lt3A_289 = arith.cmpi slt, %shift_right_logical3A_280, %lt3A_288 : vector<16xi32>
          %and3A_290 = arith.andi %and3A_287, %lt3A_289 : vector<16xi1>
          %swap3A = arith.index_cast %while3A_275 : i32 to index
          %swap3A_291 = tpu.vector_load %arg8[%swap3A] masked %and3A_290 {strides = array<i32>} : memref<16400xi32, #tpu.memory_space<vmem>>, vector<16xi32>, vector<16xi1>
          tpu.vector_store %arg8[%swap3A], %get3A_278 masked %and3A_290 {strides = array<i32>} : memref<16400xi32, #tpu.memory_space<vmem>>, vector<16xi32>, vector<16xi1>
          %all_reduce_population_count3A = tpu.all_reduce %and3A_290 {dim = 0 : i64, kind = #tpu.reduction_kind<sum>} : vector<16xi1> -> vector<16xi32>
          %slice3A = vector.extract_strided_slice %all_reduce_population_count3A {offsets = [0], sizes = [1], strides = [1]} : vector<16xi32> to vector<1xi32>
          %squeeze3A = vector.extract %slice3A[0] : i32 from vector<1xi32>
          %add3A_292 = arith.addi %while3A_275, %squeeze3A : i32
          scf.yield %add3A_292 : i32
        }
        %while3A_257 = arith.constant 0 : i32
        %while3A_258 = arith.subi %while3A_256, %while3A_257 : i32
        %while3A_259 = arith.addi %while3A_257, %while3A_258 : i32
        %while3A_260 = arith.constant 1 : i32
        %while3A_261 = arith.divsi %while3A_258, %while3A_260 : i32
        %while3A_262 = arith.muli %while3A_261, %while3A_260 : i32
        %while3A_263 = arith.addi %while3A_257, %while3A_262 : i32
        %while3A_264 = arith.constant 1 : i32
        %while3A_265 = scf.for %while3A_274 = %while3A_257 to %while3A_263 step %while3A_264 iter_args(%while3A_275 = %while3A_196) -> (i32)  : i32 {
          %get3A = arith.index_cast %while3A_274 : i32 to index
          %get3A_276 = tpu.vector_load %arg8[%get3A] {strides = array<i32>} : memref<16400xi32, #tpu.memory_space<vmem>>, vector<16xi32>,
          %slice3A = vector.extract_strided_slice %get3A_276 {offsets = [0], sizes = [1], strides = [1]} : vector<16xi32> to vector<1xi32>
          %squeeze3A = vector.extract %slice3A[0] : i32 from vector<1xi32>
          %and3A_277 = arith.constant 16383 : i32
          %and3A_278 = arith.andi %squeeze3A, %and3A_277 : i32
          %shift_right_logical3A = arith.constant 14 : i32
          %shift_right_logical3A_279 = arith.shrui %squeeze3A, %shift_right_logical3A : i32
          %sub3A_280 = arith.subi %shift_right_logical3A_279, %sub3A_216 : i32
          %broadcast_in_dim3A_281 = vector.broadcast %sub3A_280 : i32 to vector<16xi32>
          %jit3A_282 = arith.constant 16 : i32
          %eq3A_283 = arith.constant 0 : i32
          %eq3A_284 = arith.cmpi eq, %jit3A_282, %eq3A_283 : i32
          %jit3A_285 = arith.constant 1 : i32
          %select_n3A_286 = arith.select %eq3A_284, %jit3A_285, %jit3A_282 : i32
          %rem3A_287 = arith.remsi %while3A_275, %select_n3A_286 : i32
          %ne3A_288 = arith.constant 0 : i32
          %ne3A_289 = arith.cmpi ne, %rem3A_287, %ne3A_288 : i32
          %lt3A_290 = arith.constant 0 : i32
          %lt3A_291 = arith.cmpi slt, %rem3A_287, %lt3A_290 : i32
          %lt3A_292 = arith.constant 0 : i32
          %lt3A_293 = arith.cmpi slt, %select_n3A_286, %lt3A_292 : i32
          %ne3A_294 = arith.xori %lt3A_291, %lt3A_293 : i1
          %and3A_295 = arith.andi %ne3A_294, %ne3A_289 : i1
          %add3A_296 = arith.addi %rem3A_287, %select_n3A_286 : i32
          %select_n3A_297 = arith.select %and3A_295, %add3A_296, %rem3A_287 : i32
          %mul3A_298 = arith.constant 64 : i32
          %mul3A_299 = arith.muli %select_n3A_297, %mul3A_298 : i32
          %add3A_300 = arith.constant 0 : i32
          %add3A_301 = vector.broadcast %add3A_300 : i32 to vector<16xi32>
          %add3A_302 = arith.addi %iota3A, %add3A_301 : vector<16xi32>
          %gather3A = tpu.vector_load_idx %arg10[%add3A_302, %broadcast_in_dim3A_281] : memref<64x512xf32, #tpu.memory_space<vmem>>[vector<16xi32>, vector<16xi32>], vector<16xf32>,
          %add3A_303 = arith.constant 0 : i32
          %add3A_304 = arith.addi %mul3A_299, %add3A_303 : i32
          %swap3A = arith.index_cast %add3A_304 : i32 to index
          %swap3A_305 = tpu.vector_load %arg11[%swap3A] {strides = array<i32>} : memref<1024xf32, #tpu.memory_space<vmem>>, vector<16xf32>,
          tpu.vector_store %arg11[%swap3A], %gather3A {strides = array<i32>} : memref<1024xf32, #tpu.memory_space<vmem>>, vector<16xf32>,
          %add3A_306 = arith.constant 16 : i32
          %add3A_307 = vector.broadcast %add3A_306 : i32 to vector<16xi32>
          %add3A_308 = arith.addi %iota3A, %add3A_307 : vector<16xi32>
          %gather3A_309 = tpu.vector_load_idx %arg10[%add3A_308, %broadcast_in_dim3A_281] : memref<64x512xf32, #tpu.memory_space<vmem>>[vector<16xi32>, vector<16xi32>], vector<16xf32>,
          %add3A_310 = arith.constant 16 : i32
          %add3A_311 = arith.addi %mul3A_299, %add3A_310 : i32
          %swap3A_312 = arith.index_cast %add3A_311 : i32 to index
          %swap3A_313 = tpu.vector_load %arg11[%swap3A_312] {strides = array<i32>} : memref<1024xf32, #tpu.memory_space<vmem>>, vector<16xf32>,
          tpu.vector_store %arg11[%swap3A_312], %gather3A_309 {strides = array<i32>} : memref<1024xf32, #tpu.memory_space<vmem>>, vector<16xf32>,
          %add3A_314 = arith.constant 32 : i32
          %add3A_315 = vector.broadcast %add3A_314 : i32 to vector<16xi32>
          %add3A_316 = arith.addi %iota3A, %add3A_315 : vector<16xi32>
          %gather3A_317 = tpu.vector_load_idx %arg10[%add3A_316, %broadcast_in_dim3A_281] : memref<64x512xf32, #tpu.memory_space<vmem>>[vector<16xi32>, vector<16xi32>], vector<16xf32>,
          %add3A_318 = arith.constant 32 : i32
          %add3A_319 = arith.addi %mul3A_299, %add3A_318 : i32
          %swap3A_320 = arith.index_cast %add3A_319 : i32 to index
          %swap3A_321 = tpu.vector_load %arg11[%swap3A_320] {strides = array<i32>} : memref<1024xf32, #tpu.memory_space<vmem>>, vector<16xf32>,
          tpu.vector_store %arg11[%swap3A_320], %gather3A_317 {strides = array<i32>} : memref<1024xf32, #tpu.memory_space<vmem>>, vector<16xf32>,
          %add3A_322 = arith.constant 48 : i32
          %add3A_323 = vector.broadcast %add3A_322 : i32 to vector<16xi32>
          %add3A_324 = arith.addi %iota3A, %add3A_323 : vector<16xi32>
          %gather3A_325 = tpu.vector_load_idx %arg10[%add3A_324, %broadcast_in_dim3A_281] : memref<64x512xf32, #tpu.memory_space<vmem>>[vector<16xi32>, vector<16xi32>], vector<16xf32>,
          %add3A_326 = arith.constant 48 : i32
          %add3A_327 = arith.addi %mul3A_299, %add3A_326 : i32
          %swap3A_328 = arith.index_cast %add3A_327 : i32 to index
          %swap3A_329 = tpu.vector_load %arg11[%swap3A_328] {strides = array<i32>} : memref<1024xf32, #tpu.memory_space<vmem>>, vector<16xf32>,
          tpu.vector_store %arg11[%swap3A_328], %gather3A_325 {strides = array<i32>} : memref<1024xf32, #tpu.memory_space<vmem>>, vector<16xf32>,
          %ge3A = arith.constant 16 : i32
          %ge3A_330 = arith.cmpi sge, %while3A_275, %ge3A : i32
          %convert_element_type3A_331 = arith.extui %ge3A_330 : i1 to i32
          %cond3A_332 = arith.constant 0 : i32
          %cond3A_333 = arith.cmpi ne, %convert_element_type3A_331, %cond3A_332 : i32
          scf.if %cond3A_333 {
            %dma_wait3A_342 = arith.constant 0 : i32
            %dma_wait3A_343 = tpu.memref_slice %arg11[%dma_wait3A_342] : memref<1024xf32, #tpu.memory_space<vmem>> -> memref<64xf32, #tpu.memory_space<vmem>>
            %dma_wait3A_344 = arith.constant 0 : i32
            %dma_wait3A_345 = tpu.memref_slice %arg5[%dma_wait3A_344] : memref<1048576xf32, #tpu.memory_space<hbm>> -> memref<64xf32, #tpu.memory_space<hbm>>
            %dma_wait3A_346 = arith.constant 0 : i32
            %dma_wait3A_347 = tpu.memref_slice %arg11[%dma_wait3A_346] : memref<1024xf32, #tpu.memory_space<vmem>> -> memref<64xf32, #tpu.memory_space<vmem>>
            %dma_wait3A_348 = arith.constant 0 : i32
            %dma_wait3A_349 = tpu.memref_slice %arg5[%dma_wait3A_348] : memref<1048576xf32, #tpu.memory_space<hbm>> -> memref<64xf32, #tpu.memory_space<hbm>>
            tpu.wait_dma2 semaphore(%arg14 : memref<!tpu.dma_semaphore, #tpu.memory_space<semaphore_mem>>) src(%dma_wait3A_349 : memref<64xf32, #tpu.memory_space<hbm>>) dst(%dma_wait3A_347 : memref<64xf32, #tpu.memory_space<vmem>>)
          } else {
          }
          %mul3A_334 = arith.constant 64 : i32
          %mul3A_335 = arith.muli %and3A_278, %mul3A_334 : i32
          %dma_start3A_336 = tpu.memref_slice %arg11[%mul3A_299] : memref<1024xf32, #tpu.memory_space<vmem>> -> memref<64xf32, #tpu.memory_space<vmem>>
          %dma_start3A_337 = tpu.memref_slice %arg5[%mul3A_335] : memref<1048576xf32, #tpu.memory_space<hbm>> -> memref<64xf32, #tpu.memory_space<hbm>>
          %dma_start3A_338 = tpu.memref_slice %arg5[%mul3A_335] : memref<1048576xf32, #tpu.memory_space<hbm>> -> memref<64xf32, #tpu.memory_space<hbm>>
          %dma_start3A_339 = tpu.memref_slice %arg11[%mul3A_299] : memref<1024xf32, #tpu.memory_space<vmem>> -> memref<64xf32, #tpu.memory_space<vmem>>
          tpu.enqueue_dma source(%dma_start3A_339 : memref<64xf32, #tpu.memory_space<vmem>>) target(%dma_start3A_338 : memref<64xf32, #tpu.memory_space<hbm>>) target_semaphore(%arg14 : memref<!tpu.dma_semaphore, #tpu.memory_space<semaphore_mem>>)
          %add3A_340 = arith.constant 1 : i32
          %add3A_341 = arith.addi %while3A_275, %add3A_340 : i32
          scf.yield %add3A_341 : i32
        }
        %while3A_266 = arith.constant 1 : i32
        %while3A_267 = scf.for %while3A_274 = %while3A_263 to %while3A_259 step %while3A_266 iter_args(%while3A_275 = %while3A_265) -> (i32)  : i32 {
          %get3A = arith.index_cast %while3A_274 : i32 to index
          %get3A_276 = tpu.vector_load %arg8[%get3A] {strides = array<i32>} : memref<16400xi32, #tpu.memory_space<vmem>>, vector<16xi32>,
          %slice3A = vector.extract_strided_slice %get3A_276 {offsets = [0], sizes = [1], strides = [1]} : vector<16xi32> to vector<1xi32>
          %squeeze3A = vector.extract %slice3A[0] : i32 from vector<1xi32>
          %and3A_277 = arith.constant 16383 : i32
          %and3A_278 = arith.andi %squeeze3A, %and3A_277 : i32
          %shift_right_logical3A = arith.constant 14 : i32
          %shift_right_logical3A_279 = arith.shrui %squeeze3A, %shift_right_logical3A : i32
          %sub3A_280 = arith.subi %shift_right_logical3A_279, %sub3A_216 : i32
          %broadcast_in_dim3A_281 = vector.broadcast %sub3A_280 : i32 to vector<16xi32>
          %jit3A_282 = arith.constant 16 : i32
          %eq3A_283 = arith.constant 0 : i32
          %eq3A_284 = arith.cmpi eq, %jit3A_282, %eq3A_283 : i32
          %jit3A_285 = arith.constant 1 : i32
          %select_n3A_286 = arith.select %eq3A_284, %jit3A_285, %jit3A_282 : i32
          %rem3A_287 = arith.remsi %while3A_275, %select_n3A_286 : i32
          %ne3A_288 = arith.constant 0 : i32
          %ne3A_289 = arith.cmpi ne, %rem3A_287, %ne3A_288 : i32
          %lt3A_290 = arith.constant 0 : i32
          %lt3A_291 = arith.cmpi slt, %rem3A_287, %lt3A_290 : i32
          %lt3A_292 = arith.constant 0 : i32
          %lt3A_293 = arith.cmpi slt, %select_n3A_286, %lt3A_292 : i32
          %ne3A_294 = arith.xori %lt3A_291, %lt3A_293 : i1
          %and3A_295 = arith.andi %ne3A_294, %ne3A_289 : i1
          %add3A_296 = arith.addi %rem3A_287, %select_n3A_286 : i32
          %select_n3A_297 = arith.select %and3A_295, %add3A_296, %rem3A_287 : i32
          %mul3A_298 = arith.constant 64 : i32
          %mul3A_299 = arith.muli %select_n3A_297, %mul3A_298 : i32
          %add3A_300 = arith.constant 0 : i32
          %add3A_301 = vector.broadcast %add3A_300 : i32 to vector<16xi32>
          %add3A_302 = arith.addi %iota3A, %add3A_301 : vector<16xi32>
          %gather3A = tpu.vector_load_idx %arg10[%add3A_302, %broadcast_in_dim3A_281] : memref<64x512xf32, #tpu.memory_space<vmem>>[vector<16xi32>, vector<16xi32>], vector<16xf32>,
          %add3A_303 = arith.constant 0 : i32
          %add3A_304 = arith.addi %mul3A_299, %add3A_303 : i32
          %swap3A = arith.index_cast %add3A_304 : i32 to index
          %swap3A_305 = tpu.vector_load %arg11[%swap3A] {strides = array<i32>} : memref<1024xf32, #tpu.memory_space<vmem>>, vector<16xf32>,
          tpu.vector_store %arg11[%swap3A], %gather3A {strides = array<i32>} : memref<1024xf32, #tpu.memory_space<vmem>>, vector<16xf32>,
          %add3A_306 = arith.constant 16 : i32
          %add3A_307 = vector.broadcast %add3A_306 : i32 to vector<16xi32>
          %add3A_308 = arith.addi %iota3A, %add3A_307 : vector<16xi32>
          %gather3A_309 = tpu.vector_load_idx %arg10[%add3A_308, %broadcast_in_dim3A_281] : memref<64x512xf32, #tpu.memory_space<vmem>>[vector<16xi32>, vector<16xi32>], vector<16xf32>,
          %add3A_310 = arith.constant 16 : i32
          %add3A_311 = arith.addi %mul3A_299, %add3A_310 : i32
          %swap3A_312 = arith.index_cast %add3A_311 : i32 to index
          %swap3A_313 = tpu.vector_load %arg11[%swap3A_312] {strides = array<i32>} : memref<1024xf32, #tpu.memory_space<vmem>>, vector<16xf32>,
          tpu.vector_store %arg11[%swap3A_312], %gather3A_309 {strides = array<i32>} : memref<1024xf32, #tpu.memory_space<vmem>>, vector<16xf32>,
          %add3A_314 = arith.constant 32 : i32
          %add3A_315 = vector.broadcast %add3A_314 : i32 to vector<16xi32>
          %add3A_316 = arith.addi %iota3A, %add3A_315 : vector<16xi32>
          %gather3A_317 = tpu.vector_load_idx %arg10[%add3A_316, %broadcast_in_dim3A_281] : memref<64x512xf32, #tpu.memory_space<vmem>>[vector<16xi32>, vector<16xi32>], vector<16xf32>,
          %add3A_318 = arith.constant 32 : i32
          %add3A_319 = arith.addi %mul3A_299, %add3A_318 : i32
          %swap3A_320 = arith.index_cast %add3A_319 : i32 to index
          %swap3A_321 = tpu.vector_load %arg11[%swap3A_320] {strides = array<i32>} : memref<1024xf32, #tpu.memory_space<vmem>>, vector<16xf32>,
          tpu.vector_store %arg11[%swap3A_320], %gather3A_317 {strides = array<i32>} : memref<1024xf32, #tpu.memory_space<vmem>>, vector<16xf32>,
          %add3A_322 = arith.constant 48 : i32
          %add3A_323 = vector.broadcast %add3A_322 : i32 to vector<16xi32>
          %add3A_324 = arith.addi %iota3A, %add3A_323 : vector<16xi32>
          %gather3A_325 = tpu.vector_load_idx %arg10[%add3A_324, %broadcast_in_dim3A_281] : memref<64x512xf32, #tpu.memory_space<vmem>>[vector<16xi32>, vector<16xi32>], vector<16xf32>,
          %add3A_326 = arith.constant 48 : i32
          %add3A_327 = arith.addi %mul3A_299, %add3A_326 : i32
          %swap3A_328 = arith.index_cast %add3A_327 : i32 to index
          %swap3A_329 = tpu.vector_load %arg11[%swap3A_328] {strides = array<i32>} : memref<1024xf32, #tpu.memory_space<vmem>>, vector<16xf32>,
          tpu.vector_store %arg11[%swap3A_328], %gather3A_325 {strides = array<i32>} : memref<1024xf32, #tpu.memory_space<vmem>>, vector<16xf32>,
          %ge3A = arith.constant 16 : i32
          %ge3A_330 = arith.cmpi sge, %while3A_275, %ge3A : i32
          %convert_element_type3A_331 = arith.extui %ge3A_330 : i1 to i32
          %cond3A_332 = arith.constant 0 : i32
          %cond3A_333 = arith.cmpi ne, %convert_element_type3A_331, %cond3A_332 : i32
          scf.if %cond3A_333 {
            %dma_wait3A_342 = arith.constant 0 : i32
            %dma_wait3A_343 = tpu.memref_slice %arg11[%dma_wait3A_342] : memref<1024xf32, #tpu.memory_space<vmem>> -> memref<64xf32, #tpu.memory_space<vmem>>
            %dma_wait3A_344 = arith.constant 0 : i32
            %dma_wait3A_345 = tpu.memref_slice %arg5[%dma_wait3A_344] : memref<1048576xf32, #tpu.memory_space<hbm>> -> memref<64xf32, #tpu.memory_space<hbm>>
            %dma_wait3A_346 = arith.constant 0 : i32
            %dma_wait3A_347 = tpu.memref_slice %arg11[%dma_wait3A_346] : memref<1024xf32, #tpu.memory_space<vmem>> -> memref<64xf32, #tpu.memory_space<vmem>>
            %dma_wait3A_348 = arith.constant 0 : i32
            %dma_wait3A_349 = tpu.memref_slice %arg5[%dma_wait3A_348] : memref<1048576xf32, #tpu.memory_space<hbm>> -> memref<64xf32, #tpu.memory_space<hbm>>
            tpu.wait_dma2 semaphore(%arg14 : memref<!tpu.dma_semaphore, #tpu.memory_space<semaphore_mem>>) src(%dma_wait3A_349 : memref<64xf32, #tpu.memory_space<hbm>>) dst(%dma_wait3A_347 : memref<64xf32, #tpu.memory_space<vmem>>)
          } else {
          }
          %mul3A_334 = arith.constant 64 : i32
          %mul3A_335 = arith.muli %and3A_278, %mul3A_334 : i32
          %dma_start3A_336 = tpu.memref_slice %arg11[%mul3A_299] : memref<1024xf32, #tpu.memory_space<vmem>> -> memref<64xf32, #tpu.memory_space<vmem>>
          %dma_start3A_337 = tpu.memref_slice %arg5[%mul3A_335] : memref<1048576xf32, #tpu.memory_space<hbm>> -> memref<64xf32, #tpu.memory_space<hbm>>
          %dma_start3A_338 = tpu.memref_slice %arg5[%mul3A_335] : memref<1048576xf32, #tpu.memory_space<hbm>> -> memref<64xf32, #tpu.memory_space<hbm>>
          %dma_start3A_339 = tpu.memref_slice %arg11[%mul3A_299] : memref<1024xf32, #tpu.memory_space<vmem>> -> memref<64xf32, #tpu.memory_space<vmem>>
          tpu.enqueue_dma source(%dma_start3A_339 : memref<64xf32, #tpu.memory_space<vmem>>) target(%dma_start3A_338 : memref<64xf32, #tpu.memory_space<hbm>>) target_semaphore(%arg14 : memref<!tpu.dma_semaphore, #tpu.memory_space<semaphore_mem>>)
          %add3A_340 = arith.constant 1 : i32
          %add3A_341 = arith.addi %while3A_275, %add3A_340 : i32
          scf.yield %add3A_341 : i32
        }
        %add3A_268 = arith.constant 2 : i32
        %add3A_269 = arith.addi %add3A_137, %add3A_268 : i32
        %lt3A_270 = arith.cmpi slt, %add3A_269, %select_n3A_46 : i32
        %convert_element_type3A_271 = arith.extui %lt3A_270 : i1 to i32
        %cond3A_272 = arith.constant 0 : i32
        %cond3A_273 = arith.cmpi ne, %convert_element_type3A_271, %cond3A_272 : i32
        scf.if %cond3A_273 {
          %add3A_274 = arith.constant 2 : i32
          %add3A_275 = arith.addi %add3A_137, %add3A_274 : i32
          %mul3A_276 = arith.constant 512 : i32
          %mul3A_277 = arith.muli %add3A_275, %mul3A_276 : i32
          %add3A_278 = arith.constant 0 : i32
          %add3A_279 = arith.addi %mul3A_277, %add3A_278 : i32
          %multiple_of3A_280 = tpu.assume_multiple %add3A_279, 128 : i32
          %dma_start3A_281 = arith.constant 0 : i32
          %dma_start3A_282 = arith.constant 0 : i32
          %dma_start3A_283 = tpu.memref_slice %arg10[%dma_start3A_281, %dma_start3A_282] : memref<64x512xf32, #tpu.memory_space<vmem>> -> memref<64x512xf32, #tpu.memory_space<vmem>>
          %dma_start3A_284 = arith.constant 0 : i32
          %dma_start3A_285 = tpu.memref_slice %arg3[%dma_start3A_284, %multiple_of3A_280] : memref<64x1000000xf32, #tpu.memory_space<hbm>> -> memref<64x512xf32, #tpu.memory_space<hbm>>
          %dma_start3A_286 = arith.constant 0 : i32
          %dma_start3A_287 = arith.constant 0 : i32
          %dma_start3A_288 = tpu.memref_slice %arg10[%dma_start3A_286, %dma_start3A_287] : memref<64x512xf32, #tpu.memory_space<vmem>> -> memref<64x512xf32, #tpu.memory_space<vmem>>
          %dma_start3A_289 = arith.constant 0 : i32
          %dma_start3A_290 = tpu.memref_slice %arg3[%dma_start3A_289, %multiple_of3A_280] : memref<64x1000000xf32, #tpu.memory_space<hbm>> -> memref<64x512xf32, #tpu.memory_space<hbm>>
          tpu.enqueue_dma source(%dma_start3A_290 : memref<64x512xf32, #tpu.memory_space<hbm>>) target(%dma_start3A_288 : memref<64x512xf32, #tpu.memory_space<vmem>>) target_semaphore(%arg16 : memref<!tpu.dma_semaphore, #tpu.memory_space<semaphore_mem>>)
        } else {
        }
        scf.yield %while3A_267 : i32
      } else {
        scf.yield %while3A_196 : i32
      }
      scf.yield %cond3A_207 : i32
    }
    %eq3A_114 = arith.constant 31 : i32
    %eq3A_115 = arith.cmpi eq, %add3A, %eq3A_114 : i32
    %convert_element_type3A_116 = arith.extui %eq3A_115 : i1 to i32
    %cond3A_117 = arith.constant 0 : i32
    %cond3A_118 = arith.cmpi ne, %convert_element_type3A_116, %cond3A_117 : i32
    %cond3A_119 = scf.if %cond3A_118 -> (i32) {
      %sub3A_131 = arith.constant 999936 : i32
      %sub3A_132 = arith.subi %sub3A_131, %mul3A_48 : i32
      %add3A_133 = arith.constant 131072 : i32
      %add3A_134 = arith.addi %sub3A_132, %add3A_133 : i32
      %add3A_135 = arith.constant 15 : i32
      %add3A_136 = arith.addi %scan3A_74, %add3A_135 : i32
      %jit3A_137 = arith.constant 16 : i32
      %div3A_138 = arith.divsi %add3A_136, %jit3A_137 : i32
      %sign3A_139 = arith.constant 0 : i32
      %sign3A_140 = arith.cmpi sgt, %add3A_136, %sign3A_139 : i32
      %sign3A_141 = arith.extui %sign3A_140 : i1 to i32
      %sign3A_142 = arith.constant 0 : i32
      %sign3A_143 = arith.cmpi slt, %add3A_136, %sign3A_142 : i32
      %sign3A_144 = arith.extui %sign3A_143 : i1 to i32
      %sign3A_145 = arith.subi %sign3A_141, %sign3A_144 : i32
      %sign3A_146 = arith.constant 0 : i32
      %sign3A_147 = arith.cmpi sgt, %jit3A_137, %sign3A_146 : i32
      %sign3A_148 = arith.extui %sign3A_147 : i1 to i32
      %sign3A_149 = arith.constant 0 : i32
      %sign3A_150 = arith.cmpi slt, %jit3A_137, %sign3A_149 : i32
      %sign3A_151 = arith.extui %sign3A_150 : i1 to i32
      %sign3A_152 = arith.subi %sign3A_148, %sign3A_151 : i32
      %ne3A_153 = arith.cmpi ne, %sign3A_145, %sign3A_152 : i32
      %rem3A_154 = arith.remsi %add3A_136, %jit3A_137 : i32
      %ne3A_155 = arith.constant 0 : i32
      %ne3A_156 = arith.cmpi ne, %rem3A_154, %ne3A_155 : i32
      %and3A_157 = arith.andi %ne3A_153, %ne3A_156 : i1
      %sub3A_158 = arith.constant 1 : i32
      %sub3A_159 = arith.subi %div3A_138, %sub3A_158 : i32
      %select_n3A_160 = arith.select %and3A_157, %sub3A_159, %div3A_138 : i32
      %while3A_161 = arith.constant 0 : i32
      %while3A_162 = arith.constant 0 : i32
      %while3A_163 = arith.subi %select_n3A_160, %while3A_161 : i32
      %while3A_164 = arith.addi %while3A_161, %while3A_163 : i32
      %while3A_165 = arith.constant 1 : i32
      %while3A_166 = arith.divsi %while3A_163, %while3A_165 : i32
      %while3A_167 = arith.muli %while3A_166, %while3A_165 : i32
      %while3A_168 = arith.addi %while3A_161, %while3A_167 : i32
      %while3A_169 = arith.constant 1 : i32
      %while3A_170 = scf.for %while3A_184 = %while3A_161 to %while3A_168 step %while3A_169 iter_args(%while3A_185 = %while3A_162) -> (i32)  : i32 {
        %mul3A_186 = arith.constant 16 : i32
        %mul3A_187 = arith.muli %while3A_184, %mul3A_186 : i32
        %get3A = arith.index_cast %mul3A_187 : i32 to index
        %get3A_188 = tpu.vector_load %arg7[%get3A] {strides = array<i32>} : memref<16400xi32, #tpu.memory_space<vmem>>, vector<16xi32>,
        %shift_right_logical3A = arith.constant 14 : i32
        %shift_right_logical3A_189 = vector.broadcast %shift_right_logical3A : i32 to vector<16xi32>
        %shift_right_logical3A_190 = arith.shrui %get3A_188, %shift_right_logical3A_189 : vector<16xi32>
        %mul3A_191 = arith.constant 16 : i32
        %mul3A_192 = arith.muli %while3A_184, %mul3A_191 : i32
        %add3A_193 = vector.broadcast %mul3A_192 : i32 to vector<16xi32>
        %add3A_194 = arith.addi %iota3A, %add3A_193 : vector<16xi32>
        %lt3A_195 = arith.cmpi slt, %add3A_194, %broadcast_in_dim3A : vector<16xi32>
        %ge3A = vector.broadcast %sub3A_132 : i32 to vector<16xi32>
        %ge3A_196 = arith.cmpi sge, %shift_right_logical3A_190, %ge3A : vector<16xi32>
        %and3A_197 = arith.andi %lt3A_195, %ge3A_196 : vector<16xi1>
        %lt3A_198 = vector.broadcast %add3A_134 : i32 to vector<16xi32>
        %lt3A_199 = arith.cmpi slt, %shift_right_logical3A_190, %lt3A_198 : vector<16xi32>
        %and3A_200 = arith.andi %and3A_197, %lt3A_199 : vector<16xi1>
        %swap3A = arith.index_cast %while3A_185 : i32 to index
        %swap3A_201 = tpu.vector_load %arg8[%swap3A] masked %and3A_200 {strides = array<i32>} : memref<16400xi32, #tpu.memory_space<vmem>>, vector<16xi32>, vector<16xi1>
        tpu.vector_store %arg8[%swap3A], %get3A_188 masked %and3A_200 {strides = array<i32>} : memref<16400xi32, #tpu.memory_space<vmem>>, vector<16xi32>, vector<16xi1>
        %all_reduce_population_count3A = tpu.all_reduce %and3A_200 {dim = 0 : i64, kind = #tpu.reduction_kind<sum>} : vector<16xi1> -> vector<16xi32>
        %slice3A = vector.extract_strided_slice %all_reduce_population_count3A {offsets = [0], sizes = [1], strides = [1]} : vector<16xi32> to vector<1xi32>
        %squeeze3A = vector.extract %slice3A[0] : i32 from vector<1xi32>
        %add3A_202 = arith.addi %while3A_185, %squeeze3A : i32
        scf.yield %add3A_202 : i32
      }
      %while3A_171 = arith.constant 1 : i32
      %while3A_172 = scf.for %while3A_184 = %while3A_168 to %while3A_164 step %while3A_171 iter_args(%while3A_185 = %while3A_170) -> (i32)  : i32 {
        %mul3A_186 = arith.constant 16 : i32
        %mul3A_187 = arith.muli %while3A_184, %mul3A_186 : i32
        %get3A = arith.index_cast %mul3A_187 : i32 to index
        %get3A_188 = tpu.vector_load %arg7[%get3A] {strides = array<i32>} : memref<16400xi32, #tpu.memory_space<vmem>>, vector<16xi32>,
        %shift_right_logical3A = arith.constant 14 : i32
        %shift_right_logical3A_189 = vector.broadcast %shift_right_logical3A : i32 to vector<16xi32>
        %shift_right_logical3A_190 = arith.shrui %get3A_188, %shift_right_logical3A_189 : vector<16xi32>
        %mul3A_191 = arith.constant 16 : i32
        %mul3A_192 = arith.muli %while3A_184, %mul3A_191 : i32
        %add3A_193 = vector.broadcast %mul3A_192 : i32 to vector<16xi32>
        %add3A_194 = arith.addi %iota3A, %add3A_193 : vector<16xi32>
        %lt3A_195 = arith.cmpi slt, %add3A_194, %broadcast_in_dim3A : vector<16xi32>
        %ge3A = vector.broadcast %sub3A_132 : i32 to vector<16xi32>
        %ge3A_196 = arith.cmpi sge, %shift_right_logical3A_190, %ge3A : vector<16xi32>
        %and3A_197 = arith.andi %lt3A_195, %ge3A_196 : vector<16xi1>
        %lt3A_198 = vector.broadcast %add3A_134 : i32 to vector<16xi32>
        %lt3A_199 = arith.cmpi slt, %shift_right_logical3A_190, %lt3A_198 : vector<16xi32>
        %and3A_200 = arith.andi %and3A_197, %lt3A_199 : vector<16xi1>
        %swap3A = arith.index_cast %while3A_185 : i32 to index
        %swap3A_201 = tpu.vector_load %arg8[%swap3A] masked %and3A_200 {strides = array<i32>} : memref<16400xi32, #tpu.memory_space<vmem>>, vector<16xi32>, vector<16xi1>
        tpu.vector_store %arg8[%swap3A], %get3A_188 masked %and3A_200 {strides = array<i32>} : memref<16400xi32, #tpu.memory_space<vmem>>, vector<16xi32>, vector<16xi1>
        %all_reduce_population_count3A = tpu.all_reduce %and3A_200 {dim = 0 : i64, kind = #tpu.reduction_kind<sum>} : vector<16xi1> -> vector<16xi32>
        %slice3A = vector.extract_strided_slice %all_reduce_population_count3A {offsets = [0], sizes = [1], strides = [1]} : vector<16xi32> to vector<1xi32>
        %squeeze3A = vector.extract %slice3A[0] : i32 from vector<1xi32>
        %add3A_202 = arith.addi %while3A_185, %squeeze3A : i32
        scf.yield %add3A_202 : i32
      }
      %while3A_173 = arith.constant 0 : i32
      %while3A_174 = arith.subi %while3A_172, %while3A_173 : i32
      %while3A_175 = arith.addi %while3A_173, %while3A_174 : i32
      %while3A_176 = arith.constant 1 : i32
      %while3A_177 = arith.divsi %while3A_174, %while3A_176 : i32
      %while3A_178 = arith.muli %while3A_177, %while3A_176 : i32
      %while3A_179 = arith.addi %while3A_173, %while3A_178 : i32
      %while3A_180 = arith.constant 1 : i32
      %while3A_181 = scf.for %while3A_184 = %while3A_173 to %while3A_179 step %while3A_180 iter_args(%while3A_185 = %while3A_113) -> (i32)  : i32 {
        %get3A = arith.index_cast %while3A_184 : i32 to index
        %get3A_186 = tpu.vector_load %arg8[%get3A] {strides = array<i32>} : memref<16400xi32, #tpu.memory_space<vmem>>, vector<16xi32>,
        %slice3A = vector.extract_strided_slice %get3A_186 {offsets = [0], sizes = [1], strides = [1]} : vector<16xi32> to vector<1xi32>
        %squeeze3A = vector.extract %slice3A[0] : i32 from vector<1xi32>
        %and3A_187 = arith.constant 16383 : i32
        %and3A_188 = arith.andi %squeeze3A, %and3A_187 : i32
        %shift_right_logical3A = arith.constant 14 : i32
        %shift_right_logical3A_189 = arith.shrui %squeeze3A, %shift_right_logical3A : i32
        %sub3A_190 = arith.subi %shift_right_logical3A_189, %sub3A_132 : i32
        %broadcast_in_dim3A_191 = vector.broadcast %sub3A_190 : i32 to vector<16xi32>
        %jit3A_192 = arith.constant 16 : i32
        %eq3A_193 = arith.constant 0 : i32
        %eq3A_194 = arith.cmpi eq, %jit3A_192, %eq3A_193 : i32
        %jit3A_195 = arith.constant 1 : i32
        %select_n3A_196 = arith.select %eq3A_194, %jit3A_195, %jit3A_192 : i32
        %rem3A_197 = arith.remsi %while3A_185, %select_n3A_196 : i32
        %ne3A_198 = arith.constant 0 : i32
        %ne3A_199 = arith.cmpi ne, %rem3A_197, %ne3A_198 : i32
        %lt3A_200 = arith.constant 0 : i32
        %lt3A_201 = arith.cmpi slt, %rem3A_197, %lt3A_200 : i32
        %lt3A_202 = arith.constant 0 : i32
        %lt3A_203 = arith.cmpi slt, %select_n3A_196, %lt3A_202 : i32
        %ne3A_204 = arith.xori %lt3A_201, %lt3A_203 : i1
        %and3A_205 = arith.andi %ne3A_204, %ne3A_199 : i1
        %add3A_206 = arith.addi %rem3A_197, %select_n3A_196 : i32
        %select_n3A_207 = arith.select %and3A_205, %add3A_206, %rem3A_197 : i32
        %mul3A_208 = arith.constant 64 : i32
        %mul3A_209 = arith.muli %select_n3A_207, %mul3A_208 : i32
        %add3A_210 = arith.constant 0 : i32
        %add3A_211 = vector.broadcast %add3A_210 : i32 to vector<16xi32>
        %add3A_212 = arith.addi %iota3A, %add3A_211 : vector<16xi32>
        %gather3A = tpu.vector_load_idx %arg12[%add3A_212, %broadcast_in_dim3A_191] : memref<64x64xf32, #tpu.memory_space<vmem>>[vector<16xi32>, vector<16xi32>], vector<16xf32>,
        %add3A_213 = arith.constant 0 : i32
        %add3A_214 = arith.addi %mul3A_209, %add3A_213 : i32
        %swap3A = arith.index_cast %add3A_214 : i32 to index
        %swap3A_215 = tpu.vector_load %arg11[%swap3A] {strides = array<i32>} : memref<1024xf32, #tpu.memory_space<vmem>>, vector<16xf32>,
        tpu.vector_store %arg11[%swap3A], %gather3A {strides = array<i32>} : memref<1024xf32, #tpu.memory_space<vmem>>, vector<16xf32>,
        %add3A_216 = arith.constant 16 : i32
        %add3A_217 = vector.broadcast %add3A_216 : i32 to vector<16xi32>
        %add3A_218 = arith.addi %iota3A, %add3A_217 : vector<16xi32>
        %gather3A_219 = tpu.vector_load_idx %arg12[%add3A_218, %broadcast_in_dim3A_191] : memref<64x64xf32, #tpu.memory_space<vmem>>[vector<16xi32>, vector<16xi32>], vector<16xf32>,
        %add3A_220 = arith.constant 16 : i32
        %add3A_221 = arith.addi %mul3A_209, %add3A_220 : i32
        %swap3A_222 = arith.index_cast %add3A_221 : i32 to index
        %swap3A_223 = tpu.vector_load %arg11[%swap3A_222] {strides = array<i32>} : memref<1024xf32, #tpu.memory_space<vmem>>, vector<16xf32>,
        tpu.vector_store %arg11[%swap3A_222], %gather3A_219 {strides = array<i32>} : memref<1024xf32, #tpu.memory_space<vmem>>, vector<16xf32>,
        %add3A_224 = arith.constant 32 : i32
        %add3A_225 = vector.broadcast %add3A_224 : i32 to vector<16xi32>
        %add3A_226 = arith.addi %iota3A, %add3A_225 : vector<16xi32>
        %gather3A_227 = tpu.vector_load_idx %arg12[%add3A_226, %broadcast_in_dim3A_191] : memref<64x64xf32, #tpu.memory_space<vmem>>[vector<16xi32>, vector<16xi32>], vector<16xf32>,
        %add3A_228 = arith.constant 32 : i32
        %add3A_229 = arith.addi %mul3A_209, %add3A_228 : i32
        %swap3A_230 = arith.index_cast %add3A_229 : i32 to index
        %swap3A_231 = tpu.vector_load %arg11[%swap3A_230] {strides = array<i32>} : memref<1024xf32, #tpu.memory_space<vmem>>, vector<16xf32>,
        tpu.vector_store %arg11[%swap3A_230], %gather3A_227 {strides = array<i32>} : memref<1024xf32, #tpu.memory_space<vmem>>, vector<16xf32>,
        %add3A_232 = arith.constant 48 : i32
        %add3A_233 = vector.broadcast %add3A_232 : i32 to vector<16xi32>
        %add3A_234 = arith.addi %iota3A, %add3A_233 : vector<16xi32>
        %gather3A_235 = tpu.vector_load_idx %arg12[%add3A_234, %broadcast_in_dim3A_191] : memref<64x64xf32, #tpu.memory_space<vmem>>[vector<16xi32>, vector<16xi32>], vector<16xf32>,
        %add3A_236 = arith.constant 48 : i32
        %add3A_237 = arith.addi %mul3A_209, %add3A_236 : i32
        %swap3A_238 = arith.index_cast %add3A_237 : i32 to index
        %swap3A_239 = tpu.vector_load %arg11[%swap3A_238] {strides = array<i32>} : memref<1024xf32, #tpu.memory_space<vmem>>, vector<16xf32>,
        tpu.vector_store %arg11[%swap3A_238], %gather3A_235 {strides = array<i32>} : memref<1024xf32, #tpu.memory_space<vmem>>, vector<16xf32>,
        %ge3A = arith.constant 16 : i32
        %ge3A_240 = arith.cmpi sge, %while3A_185, %ge3A : i32
        %convert_element_type3A_241 = arith.extui %ge3A_240 : i1 to i32
        %cond3A_242 = arith.constant 0 : i32
        %cond3A_243 = arith.cmpi ne, %convert_element_type3A_241, %cond3A_242 : i32
        scf.if %cond3A_243 {
          %dma_wait3A = arith.constant 0 : i32
          %dma_wait3A_252 = tpu.memref_slice %arg11[%dma_wait3A] : memref<1024xf32, #tpu.memory_space<vmem>> -> memref<64xf32, #tpu.memory_space<vmem>>
          %dma_wait3A_253 = arith.constant 0 : i32
          %dma_wait3A_254 = tpu.memref_slice %arg5[%dma_wait3A_253] : memref<1048576xf32, #tpu.memory_space<hbm>> -> memref<64xf32, #tpu.memory_space<hbm>>
          %dma_wait3A_255 = arith.constant 0 : i32
          %dma_wait3A_256 = tpu.memref_slice %arg11[%dma_wait3A_255] : memref<1024xf32, #tpu.memory_space<vmem>> -> memref<64xf32, #tpu.memory_space<vmem>>
          %dma_wait3A_257 = arith.constant 0 : i32
          %dma_wait3A_258 = tpu.memref_slice %arg5[%dma_wait3A_257] : memref<1048576xf32, #tpu.memory_space<hbm>> -> memref<64xf32, #tpu.memory_space<hbm>>
          tpu.wait_dma2 semaphore(%arg14 : memref<!tpu.dma_semaphore, #tpu.memory_space<semaphore_mem>>) src(%dma_wait3A_258 : memref<64xf32, #tpu.memory_space<hbm>>) dst(%dma_wait3A_256 : memref<64xf32, #tpu.memory_space<vmem>>)
        } else {
        }
        %mul3A_244 = arith.constant 64 : i32
        %mul3A_245 = arith.muli %and3A_188, %mul3A_244 : i32
        %dma_start3A_246 = tpu.memref_slice %arg11[%mul3A_209] : memref<1024xf32, #tpu.memory_space<vmem>> -> memref<64xf32, #tpu.memory_space<vmem>>
        %dma_start3A_247 = tpu.memref_slice %arg5[%mul3A_245] : memref<1048576xf32, #tpu.memory_space<hbm>> -> memref<64xf32, #tpu.memory_space<hbm>>
        %dma_start3A_248 = tpu.memref_slice %arg5[%mul3A_245] : memref<1048576xf32, #tpu.memory_space<hbm>> -> memref<64xf32, #tpu.memory_space<hbm>>
        %dma_start3A_249 = tpu.memref_slice %arg11[%mul3A_209] : memref<1024xf32, #tpu.memory_space<vmem>> -> memref<64xf32, #tpu.memory_space<vmem>>
        tpu.enqueue_dma source(%dma_start3A_249 : memref<64xf32, #tpu.memory_space<vmem>>) target(%dma_start3A_248 : memref<64xf32, #tpu.memory_space<hbm>>) target_semaphore(%arg14 : memref<!tpu.dma_semaphore, #tpu.memory_space<semaphore_mem>>)
        %add3A_250 = arith.constant 1 : i32
        %add3A_251 = arith.addi %while3A_185, %add3A_250 : i32
        scf.yield %add3A_251 : i32
      }
      %while3A_182 = arith.constant 1 : i32
      %while3A_183 = scf.for %while3A_184 = %while3A_179 to %while3A_175 step %while3A_182 iter_args(%while3A_185 = %while3A_181) -> (i32)  : i32 {
        %get3A = arith.index_cast %while3A_184 : i32 to index
        %get3A_186 = tpu.vector_load %arg8[%get3A] {strides = array<i32>} : memref<16400xi32, #tpu.memory_space<vmem>>, vector<16xi32>,
        %slice3A = vector.extract_strided_slice %get3A_186 {offsets = [0], sizes = [1], strides = [1]} : vector<16xi32> to vector<1xi32>
        %squeeze3A = vector.extract %slice3A[0] : i32 from vector<1xi32>
        %and3A_187 = arith.constant 16383 : i32
        %and3A_188 = arith.andi %squeeze3A, %and3A_187 : i32
        %shift_right_logical3A = arith.constant 14 : i32
        %shift_right_logical3A_189 = arith.shrui %squeeze3A, %shift_right_logical3A : i32
        %sub3A_190 = arith.subi %shift_right_logical3A_189, %sub3A_132 : i32
        %broadcast_in_dim3A_191 = vector.broadcast %sub3A_190 : i32 to vector<16xi32>
        %jit3A_192 = arith.constant 16 : i32
        %eq3A_193 = arith.constant 0 : i32
        %eq3A_194 = arith.cmpi eq, %jit3A_192, %eq3A_193 : i32
        %jit3A_195 = arith.constant 1 : i32
        %select_n3A_196 = arith.select %eq3A_194, %jit3A_195, %jit3A_192 : i32
        %rem3A_197 = arith.remsi %while3A_185, %select_n3A_196 : i32
        %ne3A_198 = arith.constant 0 : i32
        %ne3A_199 = arith.cmpi ne, %rem3A_197, %ne3A_198 : i32
        %lt3A_200 = arith.constant 0 : i32
        %lt3A_201 = arith.cmpi slt, %rem3A_197, %lt3A_200 : i32
        %lt3A_202 = arith.constant 0 : i32
        %lt3A_203 = arith.cmpi slt, %select_n3A_196, %lt3A_202 : i32
        %ne3A_204 = arith.xori %lt3A_201, %lt3A_203 : i1
        %and3A_205 = arith.andi %ne3A_204, %ne3A_199 : i1
        %add3A_206 = arith.addi %rem3A_197, %select_n3A_196 : i32
        %select_n3A_207 = arith.select %and3A_205, %add3A_206, %rem3A_197 : i32
        %mul3A_208 = arith.constant 64 : i32
        %mul3A_209 = arith.muli %select_n3A_207, %mul3A_208 : i32
        %add3A_210 = arith.constant 0 : i32
        %add3A_211 = vector.broadcast %add3A_210 : i32 to vector<16xi32>
        %add3A_212 = arith.addi %iota3A, %add3A_211 : vector<16xi32>
        %gather3A = tpu.vector_load_idx %arg12[%add3A_212, %broadcast_in_dim3A_191] : memref<64x64xf32, #tpu.memory_space<vmem>>[vector<16xi32>, vector<16xi32>], vector<16xf32>,
        %add3A_213 = arith.constant 0 : i32
        %add3A_214 = arith.addi %mul3A_209, %add3A_213 : i32
        %swap3A = arith.index_cast %add3A_214 : i32 to index
        %swap3A_215 = tpu.vector_load %arg11[%swap3A] {strides = array<i32>} : memref<1024xf32, #tpu.memory_space<vmem>>, vector<16xf32>,
        tpu.vector_store %arg11[%swap3A], %gather3A {strides = array<i32>} : memref<1024xf32, #tpu.memory_space<vmem>>, vector<16xf32>,
        %add3A_216 = arith.constant 16 : i32
        %add3A_217 = vector.broadcast %add3A_216 : i32 to vector<16xi32>
        %add3A_218 = arith.addi %iota3A, %add3A_217 : vector<16xi32>
        %gather3A_219 = tpu.vector_load_idx %arg12[%add3A_218, %broadcast_in_dim3A_191] : memref<64x64xf32, #tpu.memory_space<vmem>>[vector<16xi32>, vector<16xi32>], vector<16xf32>,
        %add3A_220 = arith.constant 16 : i32
        %add3A_221 = arith.addi %mul3A_209, %add3A_220 : i32
        %swap3A_222 = arith.index_cast %add3A_221 : i32 to index
        %swap3A_223 = tpu.vector_load %arg11[%swap3A_222] {strides = array<i32>} : memref<1024xf32, #tpu.memory_space<vmem>>, vector<16xf32>,
        tpu.vector_store %arg11[%swap3A_222], %gather3A_219 {strides = array<i32>} : memref<1024xf32, #tpu.memory_space<vmem>>, vector<16xf32>,
        %add3A_224 = arith.constant 32 : i32
        %add3A_225 = vector.broadcast %add3A_224 : i32 to vector<16xi32>
        %add3A_226 = arith.addi %iota3A, %add3A_225 : vector<16xi32>
        %gather3A_227 = tpu.vector_load_idx %arg12[%add3A_226, %broadcast_in_dim3A_191] : memref<64x64xf32, #tpu.memory_space<vmem>>[vector<16xi32>, vector<16xi32>], vector<16xf32>,
        %add3A_228 = arith.constant 32 : i32
        %add3A_229 = arith.addi %mul3A_209, %add3A_228 : i32
        %swap3A_230 = arith.index_cast %add3A_229 : i32 to index
        %swap3A_231 = tpu.vector_load %arg11[%swap3A_230] {strides = array<i32>} : memref<1024xf32, #tpu.memory_space<vmem>>, vector<16xf32>,
        tpu.vector_store %arg11[%swap3A_230], %gather3A_227 {strides = array<i32>} : memref<1024xf32, #tpu.memory_space<vmem>>, vector<16xf32>,
        %add3A_232 = arith.constant 48 : i32
        %add3A_233 = vector.broadcast %add3A_232 : i32 to vector<16xi32>
        %add3A_234 = arith.addi %iota3A, %add3A_233 : vector<16xi32>
        %gather3A_235 = tpu.vector_load_idx %arg12[%add3A_234, %broadcast_in_dim3A_191] : memref<64x64xf32, #tpu.memory_space<vmem>>[vector<16xi32>, vector<16xi32>], vector<16xf32>,
        %add3A_236 = arith.constant 48 : i32
        %add3A_237 = arith.addi %mul3A_209, %add3A_236 : i32
        %swap3A_238 = arith.index_cast %add3A_237 : i32 to index
        %swap3A_239 = tpu.vector_load %arg11[%swap3A_238] {strides = array<i32>} : memref<1024xf32, #tpu.memory_space<vmem>>, vector<16xf32>,
        tpu.vector_store %arg11[%swap3A_238], %gather3A_235 {strides = array<i32>} : memref<1024xf32, #tpu.memory_space<vmem>>, vector<16xf32>,
        %ge3A = arith.constant 16 : i32
        %ge3A_240 = arith.cmpi sge, %while3A_185, %ge3A : i32
        %convert_element_type3A_241 = arith.extui %ge3A_240 : i1 to i32
        %cond3A_242 = arith.constant 0 : i32
        %cond3A_243 = arith.cmpi ne, %convert_element_type3A_241, %cond3A_242 : i32
        scf.if %cond3A_243 {
          %dma_wait3A = arith.constant 0 : i32
          %dma_wait3A_252 = tpu.memref_slice %arg11[%dma_wait3A] : memref<1024xf32, #tpu.memory_space<vmem>> -> memref<64xf32, #tpu.memory_space<vmem>>
          %dma_wait3A_253 = arith.constant 0 : i32
          %dma_wait3A_254 = tpu.memref_slice %arg5[%dma_wait3A_253] : memref<1048576xf32, #tpu.memory_space<hbm>> -> memref<64xf32, #tpu.memory_space<hbm>>
          %dma_wait3A_255 = arith.constant 0 : i32
          %dma_wait3A_256 = tpu.memref_slice %arg11[%dma_wait3A_255] : memref<1024xf32, #tpu.memory_space<vmem>> -> memref<64xf32, #tpu.memory_space<vmem>>
          %dma_wait3A_257 = arith.constant 0 : i32
          %dma_wait3A_258 = tpu.memref_slice %arg5[%dma_wait3A_257] : memref<1048576xf32, #tpu.memory_space<hbm>> -> memref<64xf32, #tpu.memory_space<hbm>>
          tpu.wait_dma2 semaphore(%arg14 : memref<!tpu.dma_semaphore, #tpu.memory_space<semaphore_mem>>) src(%dma_wait3A_258 : memref<64xf32, #tpu.memory_space<hbm>>) dst(%dma_wait3A_256 : memref<64xf32, #tpu.memory_space<vmem>>)
        } else {
        }
        %mul3A_244 = arith.constant 64 : i32
        %mul3A_245 = arith.muli %and3A_188, %mul3A_244 : i32
        %dma_start3A_246 = tpu.memref_slice %arg11[%mul3A_209] : memref<1024xf32, #tpu.memory_space<vmem>> -> memref<64xf32, #tpu.memory_space<vmem>>
        %dma_start3A_247 = tpu.memref_slice %arg5[%mul3A_245] : memref<1048576xf32, #tpu.memory_space<hbm>> -> memref<64xf32, #tpu.memory_space<hbm>>
        %dma_start3A_248 = tpu.memref_slice %arg5[%mul3A_245] : memref<1048576xf32, #tpu.memory_space<hbm>> -> memref<64xf32, #tpu.memory_space<hbm>>
        %dma_start3A_249 = tpu.memref_slice %arg11[%mul3A_209] : memref<1024xf32, #tpu.memory_space<vmem>> -> memref<64xf32, #tpu.memory_space<vmem>>
        tpu.enqueue_dma source(%dma_start3A_249 : memref<64xf32, #tpu.memory_space<vmem>>) target(%dma_start3A_248 : memref<64xf32, #tpu.memory_space<hbm>>) target_semaphore(%arg14 : memref<!tpu.dma_semaphore, #tpu.memory_space<semaphore_mem>>)
        %add3A_250 = arith.constant 1 : i32
        %add3A_251 = arith.addi %while3A_185, %add3A_250 : i32
        scf.yield %add3A_251 : i32
      }
      scf.yield %while3A_183 : i32
    } else {
      scf.yield %while3A_113 : i32
    }
    %min3A = arith.constant 16 : i32
    %min3A_120 = arith.minsi %cond3A_119, %min3A : i32
    %while3A_121 = arith.constant 0 : i32
    %while3A_122 = arith.constant 0 : i32
    %while3A_123 = arith.subi %min3A_120, %while3A_122 : i32
    %while3A_124 = arith.addi %while3A_122, %while3A_123 : i32
    %while3A_125 = arith.constant 1 : i32
    %while3A_126 = arith.divsi %while3A_123, %while3A_125 : i32
    %while3A_127 = arith.muli %while3A_126, %while3A_125 : i32
    %while3A_128 = arith.addi %while3A_122, %while3A_127 : i32
    %while3A_129 = arith.constant 1 : i32
    scf.for %while3A_131 = %while3A_122 to %while3A_128 step %while3A_129  : i32 {
      %dma_wait3A = arith.constant 0 : i32
      %dma_wait3A_132 = tpu.memref_slice %arg11[%dma_wait3A] : memref<1024xf32, #tpu.memory_space<vmem>> -> memref<64xf32, #tpu.memory_space<vmem>>
      %dma_wait3A_133 = arith.constant 0 : i32
      %dma_wait3A_134 = tpu.memref_slice %arg5[%dma_wait3A_133] : memref<1048576xf32, #tpu.memory_space<hbm>> -> memref<64xf32, #tpu.memory_space<hbm>>
      %dma_wait3A_135 = arith.constant 0 : i32
      %dma_wait3A_136 = tpu.memref_slice %arg11[%dma_wait3A_135] : memref<1024xf32, #tpu.memory_space<vmem>> -> memref<64xf32, #tpu.memory_space<vmem>>
      %dma_wait3A_137 = arith.constant 0 : i32
      %dma_wait3A_138 = tpu.memref_slice %arg5[%dma_wait3A_137] : memref<1048576xf32, #tpu.memory_space<hbm>> -> memref<64xf32, #tpu.memory_space<hbm>>
      tpu.wait_dma2 semaphore(%arg14 : memref<!tpu.dma_semaphore, #tpu.memory_space<semaphore_mem>>) src(%dma_wait3A_138 : memref<64xf32, #tpu.memory_space<hbm>>) dst(%dma_wait3A_136 : memref<64xf32, #tpu.memory_space<vmem>>)
    }
    %while3A_130 = arith.constant 1 : i32
    scf.for %while3A_131 = %while3A_128 to %while3A_124 step %while3A_130  : i32 {
      %dma_wait3A = arith.constant 0 : i32
      %dma_wait3A_132 = tpu.memref_slice %arg11[%dma_wait3A] : memref<1024xf32, #tpu.memory_space<vmem>> -> memref<64xf32, #tpu.memory_space<vmem>>
      %dma_wait3A_133 = arith.constant 0 : i32
      %dma_wait3A_134 = tpu.memref_slice %arg5[%dma_wait3A_133] : memref<1048576xf32, #tpu.memory_space<hbm>> -> memref<64xf32, #tpu.memory_space<hbm>>
      %dma_wait3A_135 = arith.constant 0 : i32
      %dma_wait3A_136 = tpu.memref_slice %arg11[%dma_wait3A_135] : memref<1024xf32, #tpu.memory_space<vmem>> -> memref<64xf32, #tpu.memory_space<vmem>>
      %dma_wait3A_137 = arith.constant 0 : i32
      %dma_wait3A_138 = tpu.memref_slice %arg5[%dma_wait3A_137] : memref<1048576xf32, #tpu.memory_space<hbm>> -> memref<64xf32, #tpu.memory_space<hbm>>
      tpu.wait_dma2 semaphore(%arg14 : memref<!tpu.dma_semaphore, #tpu.memory_space<semaphore_mem>>) src(%dma_wait3A_138 : memref<64xf32, #tpu.memory_space<hbm>>) dst(%dma_wait3A_136 : memref<64xf32, #tpu.memory_space<vmem>>)
    }
    return
  }
}

module attributes {stable_mosaic.version = 14 : i64} {
  func.func @_finish_body(%arg0: memref<16384x64xf32, #tpu.memory_space<vmem>>, %arg1: memref<16384x64xf32, #tpu.memory_space<vmem>>, %arg2: memref<1x1xf32, #tpu.memory_space<smem>>) attributes {dimension_semantics = [], scalar_prefetch = 0 : i64, scratch_operands = 0 : i64, tpu.core_type = #tpu.core_type<tc>} {
    %get3A = arith.constant 0 : index
    %get3A_0 = arith.constant 0 : index
    %get3A_1 = vector.load %arg0[%get3A, %get3A_0] : memref<16384x64xf32, #tpu.memory_space<vmem>>, vector<16384x64xf32>
    %get3A_2 = arith.constant 0 : index
    %get3A_3 = arith.constant 0 : index
    %get3A_4 = vector.load %arg1[%get3A_2, %get3A_3] : memref<16384x64xf32, #tpu.memory_space<vmem>>, vector<16384x64xf32>
    %sub3A = arith.subf %get3A_1, %get3A_4 : vector<16384x64xf32>
    %mul3A = arith.mulf %sub3A, %sub3A : vector<16384x64xf32>
    %reduce_sum3A = vector.shape_cast %mul3A : vector<16384x64xf32> to vector<1x16384x64xf32>
    %reduce_sum3A_5 = arith.constant dense<0.000000e+00> : vector<1xf32>
    %reduce_sum3A_6 = vector.multi_reduction <add>, %reduce_sum3A, %reduce_sum3A_5 [1, 2] : vector<1x16384x64xf32> to vector<1xf32>
    %reduce_sum3A_7 = vector.shape_cast %reduce_sum3A_6 : vector<1xf32> to vector<1x1x1xf32>
    %reduce_sum3A_8 = vector.extract %reduce_sum3A_7[0, 0, 0] : f32 from vector<1x1x1xf32>
    %mul3A_9 = arith.constant 3.05175781E-5 : f32
    %mul3A_10 = arith.mulf %reduce_sum3A_8, %mul3A_9 : f32
    %swap3A = arith.constant 0 : index
    %swap3A_11 = arith.constant 0 : index
    %swap3A_12 = memref.load %arg2[%swap3A, %swap3A_11] : memref<1x1xf32, #tpu.memory_space<smem>>
    memref.store %mul3A_10, %arg2[%swap3A, %swap3A_11] : memref<1x1xf32, #tpu.memory_space<smem>>
    return
  }
}

</mosaic_0001>

<sc_bundles>
// kernel: kernel.4.cloned.1.call-start
scs
__scs_entry_jumppad:
0x0: {  	(pc) =	sbr.rel $0x88, $3  }
0x1: {  	(tag) =	ssettag $0x0;
	lr =	simm.s32 $0x1  }
0x2: {  	[smem:$0x3F9E] =	sst lr;
	_ =	strace $0xD0000000  }
0x3: {  	_ = 	snop  }
0x4: {  	_ = 	snop  }
0x5: {  	_ = 	snop  }
0x6: {  	_ = 	snop  }
0x7: {  	_ = 	snop  }
__scs_overlays_trampoline_lowered:
0x8: {  	[smem:$0x3FAD] =	sst s0  }
0x9: {  	[smem:$0x3FAE] =	sst s1  }
0xa: {  	[smem:$0x3FAF] =	sst s2  }
0xb: {  	[smem:$0x3FB0] =	sst s3  }
0xc: {  	[smem:$0x3FB1] =	sst s4  }
0xd: {  	[smem:$0x3FB2] =	sst s5  }
0xe: {  	[smem:$0x3FB3] =	sst s6  }
0xf: {  	[smem:$0x3FB4] =	sst s7  }
0x10: {  	[smem:$0x3FB5] =	sst s8  }
0x11: {  	[smem:$0x3FB6] =	sst s9;
	s0 =	simm.s32 @!p0 $0x0  }
0x12: {  	s1 =	sld [smem:$0x3F9C];
	s0 =	simm.s32 @p0 $0x1  }
0x13: {  	[smem:$0x3FB7] =	sst s0;
	s0 =	simm.s32 @!p1 $0x0  }
0x14: {  	s2 =	sld [smem:$0x3F9B];
	s0 =	simm.s32 @p1 $0x1  }
0x15: {  	[smem:$0x3FB8] =	sst s0;
	s0 =	simm.s32 @!p2 $0x0  }
0x16: {  	s3 =	sld [smem:$0x3FDB];
	s0 =	simm.s32 @p2 $0x1  }
0x17: {  	s4 =	simm.s32 $0x1BF5;
	[smem:$0x3FBA] =	sst s0  }
0x18: {  	s0 =	sld [smem:$0x3F9D];
	_ =	swait.ge [sflag:s4], $0x0  }
0x19: {  	s7 =	sld [smem:$0x3F9E]  }
0x1a: {  	s8 =	sadd.s32 $0xFFFFE003, lr  }
0x1b: {  	s9 =	sadd.s32 $0xFFFFFEF7, lr;
	s5 =	simm.s32 $0xFFFFFFFF;
	p2 =	slt.u32 s8, $0xFFFFF086  }
0x1c: {  	p1 =	slt.u32 s9, $0xF7A;
	s5 =	simm.s32 @!p2 $0x0  }
0x1d: {  	s5 =	simm.s32 @p1 $0x1;
	p0 =	seq.s32 s7, s2  }
0x1e: {  	s7 =	smul.u32 @!p0 $0xF7A, s2;
	p2 =	seq.s32 @!p0 s5, $0x0  }
0x1f: {  	s9 =	smul.u32 $0xF7A, s1;
	s8 =	simm.s32 @!p0 $0x1BF5;
	p2 =	por !p2, p0  }
0x20: {  	[sflag:s8] =	ssyncset.s32 @!p0 $0xFFFFF086;
	s6 =	sadd.s32 @!p0 s3, s7;
	s7 =	simm.s32 @!p0 $0x108  }
0x21: {  	s3 =	sadd.s32 s3, s9;
	s6 =	sadd.s32 @!p0 $0x88, s6;
	s7 =	simm.s32 @p2 $0x1082  }
0x22: {  	[simem:s7], [sflag:s8] =	dma.local @!p0 [hbm:s6], $0xF7A  }
0x23: {  	s9 =	sor.u32 $0xD0000000, s2;
	s6 =	simm.s32 $0x108;
	_ =	swait.ge @!p0 [sflag:s8], $0x0  }
0x24: {  	s3 =	sadd.s32 $0x88, s3;
	s6 =	simm.s32 @!p1 $0x1082;
	[sflag:s4] =	ssyncset.s32 $0xFFFFF086  }
0x25: {  	[simem:s6], [sflag:s4] =	dma.local [hbm:s3], $0xF7A  }
0x26: {  	[smem:$0x3F9E] =	sst s1;
	(tag) =	ssettag s2;
	_ =	strace s9  }
0x27: {  	s1 =	sld [smem:$0x3FAE]  }
0x28: {  	s2 =	sld [smem:$0x3FAF]  }
0x29: {  	s4 =	sld [smem:$0x3FB1]  }
0x2a: {  	p0 =	seq.s32 s5, $0x0;
	s5 =	sld [smem:$0x3FB2]  }
0x2b: {  	s6 =	sld [smem:$0x3FB3]  }
0x2c: {  	s7 =	sld [smem:$0x3FB4]  }
0x2d: {  	s3 =	simm.s32 $0x108;
	s8 =	sld [smem:$0x3FB5]  }
0x2e: {  	s3 =	simm.s32 @!p0 $0x1082;
	s9 =	sld [smem:$0x3FB6]  }
0x2f: {  	lr =	sadd.s32 s0, s3;
	s0 =	sld [smem:$0x3FAD]  }
0x30: {  	s3 =	sld [smem:$0x3FB0]  }
0x31: {  	[smem:$0x3FB9] =	sst s10  }
0x32: {  	s10 =	sld [smem:$0x3FB7];
	_ =	sdelay $0x3  }
0x33: {  	p0 =	seq.s32 s10, $0x1;
	s10 =	sld [smem:$0x3FB9];
	_ =	sdelay $0x3  }
0x34: {  	[smem:$0x3FB9] =	sst s10  }
0x35: {  	s10 =	sld [smem:$0x3FB8];
	_ =	sdelay $0x3  }
0x36: {  	p1 =	seq.s32 s10, $0x1;
	s10 =	sld [smem:$0x3FB9];
	_ =	sdelay $0x3  }
0x37: {  	[smem:$0x3FB9] =	sst s10  }
0x38: {  	s10 =	sld [smem:$0x3FBA]  }
0x39: {  	_ = 	snop;
	(pc) =	sbr.ind lr, $3  }
0x3a: {  	_ = 	snop  }
0x3b: {  	_ = 	snop  }
0x3c: {  	p2 =	seq.s32 s10, $0x1;
	s10 =	sld [smem:$0x3FB9]  }
0x3d: {  	_ =	shalt  }
0x3e: {  	_ =	shalt  }
0x3f: {  	_ =	shalt  }
0x40: {  	_ =	shalt  }
0x41: {  	_ =	shalt  }
0x42: {  	_ =	shalt  }
0x43: {  	_ =	shalt  }
0x44: {  	_ =	shalt  }
0x45: {  	_ =	shalt  }
0x46: {  	_ =	shalt  }
0x47: {  	_ =	shalt  }
0x48: {  	_ =	shalt  }
0x49: {  	_ =	shalt  }
0x4a: {  	_ =	shalt  }
0x4b: {  	_ =	shalt  }
0x4c: {  	_ =	shalt  }
0x4d: {  	_ =	shalt  }
0x4e: {  	_ =	shalt  }
0x4f: {  	_ =	shalt  }
0x50: {  	_ =	shalt  }
0x51: {  	_ =	shalt  }
0x52: {  	_ =	shalt  }
0x53: {  	_ =	shalt  }
0x54: {  	_ =	shalt  }
0x55: {  	_ =	shalt  }
0x56: {  	_ =	shalt  }
0x57: {  	_ =	shalt  }
0x58: {  	_ =	shalt  }
0x59: {  	_ =	shalt  }
0x5a: {  	_ =	shalt  }
0x5b: {  	_ =	shalt  }
0x5c: {  	_ =	shalt  }
0x5d: {  	_ =	shalt  }
0x5e: {  	_ =	shalt  }
0x5f: {  	_ =	shalt  }
0x60: {  	_ =	shalt  }
0x61: {  	_ =	shalt  }
0x62: {  	_ =	shalt  }
0x63: {  	_ =	shalt  }
0x64: {  	_ =	shalt  }
0x65: {  	_ =	shalt  }
0x66: {  	_ =	shalt  }
0x67: {  	_ =	shalt  }
0x68: {  	_ =	shalt  }
0x69: {  	_ =	shalt  }
0x6a: {  	_ =	shalt  }
0x6b: {  	_ =	shalt  }
0x6c: {  	_ =	shalt  }
0x6d: {  	_ =	shalt  }
0x6e: {  	_ =	shalt  }
0x6f: {  	_ =	shalt  }
0x70: {  	_ =	shalt  }
0x71: {  	_ =	shalt  }
0x72: {  	_ =	shalt  }
0x73: {  	_ =	shalt  }
0x74: {  	_ =	shalt  }
0x75: {  	_ =	shalt  }
0x76: {  	_ =	shalt  }
0x77: {  	_ =	shalt  }
0x78: {  	_ =	shalt  }
0x79: {  	_ =	shalt  }
0x7a: {  	_ =	shalt  }
0x7b: {  	_ =	shalt  }
0x7c: {  	_ =	shalt  }
0x7d: {  	_ =	shalt  }
0x7e: {  	_ =	shalt  }
0x7f: {  	_ =	shalt  }
0x80: {  	_ =	shalt  }
0x81: {  	_ =	shalt  }
0x82: {  	_ =	shalt  }
0x83: {  	_ =	shalt  }
0x84: {  	_ =	shalt  }
0x85: {  	_ =	shalt  }
0x86: {  	_ =	shalt  }
0x87: {  	_ =	shalt  }
.Lfunc_end0:
.L_simem_size_0:
called_computation_lowered:
.L_overlay_start_0:
0x88: {  	s2 =	sld [smem:$0x3FD9]  }
0x89: {  	s3 =	sld [smem:$0x3FFE];
	_ =	sdelay $0x1  }
0x8a: {  	s1 =	srdreg.scid  }
0x8b: {  	s0 =	sand.u32 $0x1, s1  }
0x8c: {  	s17 =	sshll.u32 s0, $0xA;
	s2 =	sadd.s32 s3, s2  }
0x8d: {  	s2 =	sadd.s32 s2, s17  }
0x8e: {  	[smem:$0x3FC5] =	sst s2  }
0x8f: {  	_ = 	snop  }
0x90: {  	s2 =	sld [smem:$0x3FC9]  }
0x91: {  	s18 =	sld [smem:$0x3FC7];
	(tm) =	ssettm $0x1  }
0x92: {  	s4 =	sld [smem:$0x3FFB];
	_ =	sdelay $0x3  }
0x93: {  	_ =	strace s4  }
0x94: {  	s4 =	sld [smem:$0x3FFC];
	_ =	sdelay $0x3  }
0x95: {  	_ =	strace s4  }
0x96: {  	s4 =	sld [smem:$0x3FFD];
	_ =	sdelay $0x3  }
0x97: {  	_ =	strace s4  }
0x98: {  	_ =	strace $0x8FFFFFFF  }
0x99: {  	s19 =	sld [smem:$0x3FDB];
	_ =	sdelay $0x1  }
0x9a: {  	s5 =	simm.s32 $_scs_section_size  }
0x9b: {  	s6 =	simm.s32 $_size__tile_overlayer_lowered;
	s7 =	simm.s32 $_tile_overlayer_lowered  }
0x9c: {  	s22 =	simm.s32 $0x1BFF;
	s21 =	sshll.u32 s7, $0x1;
	s4 =	sadd.s32 s5, s19  }
0x9d: {  	s8 =	simm.s32 $0x0;
	s20 =	sshll.u32 s6, $0x1;
	s6 =	sadd.s32 s21, s4  }
0x9e: {  	[timem:s8], [sflag:s22] =	dma.local [hbm:s6], s20  }
0x9f: {  	_ =	swait.ge [sflag:s22], s20  }
0xa0: {  	s5 =	ssub.s32 $0x0, s20;
	[sflag:s22] =	ssyncset.done $0x0  }
0xa1: {  	[sflag:s22] =	ssyncadd.s32 s5;
	_ =	sdelay $0x1  }
0xa2: {  	s23 =	simm.s32 $0x1B8B  }
0xa3: {  	_ =	swait.ge [sflag:s23], $0x1  }
0xa4: {  	[sflag:s23] =	ssyncset.done $0x0  }
0xa5: {  	s25 =	simm.s32 $0x1B8E;
	s24 =	sld [smem:$0x3FFE];
	[sflag:s23] =	ssyncadd.s32 $0xFFFFFFFF  }
0xa6: {  	s26 =	simm.s32 $execute0_lowered;
	[smem:$0x3FD2] =	sst s25  }
0xa7: {  	s6 =	sshll.u32 s26, $0x1;
	_ =	strace $0x80000046;
	[dreg:$0x1] =	wrdreg $0xFFFFFFFF  }
0xa8: {  	s28 =	simm.s32 $_size_execute0_lowered;
	s4 =	sadd.s32 s4, s6;
	[dreg:$0x0] =	wrdreg $0x0  }
0xa9: {  	s6 =	sshll.u32 s28, $0x1;
	[dreg:$0x2] =	wrdreg s4  }
0xaa: {  	[dreg:$0x3] =	wrdreg s6  }
0xab: {  	[dreg:$0x4] =	wrdreg $0xC0  }
0xac: {  	_ =	task [dreg:s8], $0x5FFFF  }
0xad: {  	[dreg:$0x1] =	wrdreg $0xFFFFFFFF  }
0xae: {  	[dreg:$0x0] =	wrdreg $0x60  }
0xaf: {  	[dreg:$0x2] =	wrdreg s2  }
0xb0: {  	[dreg:$0x3] =	wrdreg s18  }
0xb1: {  	[dreg:$0x4] =	wrdreg s24  }
0xb2: {  	[dreg:$0x5] =	wrdreg $0x9  }
0xb3: {  	_ =	task.clear_ibuf [dreg:s8], $0x6FFFF;
	_ =	strace $0x90000046  }
0xb4: {  	s29 =	simm.s32 $0x9;
	_ =	strace $0x80000048  }
0xb5: {  	_ =	swait.ge [sflag:s29], $0x1  }
0xb6: {  	[sflag:s29] =	ssyncadd.s32 $0xFFFFFFFF  }
0xb7: {  	_ =	strace $0x90000048  }
0xb8: {  	_ =	sfence  }
0xb9: {  	s30 =	sld [smem:$0x0];
	_ =	sdelay $0x2  }
0xba: {  	s31 =	sshll.u32 s1, $0xD;
	s1 =	sshrl.u32 s1, $0x2  }
0xbb: {  	s3 =	sand.u32 $0x4000, s31;
	s1 =	sadd.s32 s1, s30  }
0xbc: {  	s0 =	sor.u32 s3, s0;
	s1 =	sshll.u32 s1, $0x11  }
0xbd: {  	s0 =	sor.u32 s1, s0  }
0xbe: {  	s0 =	sadd.s32 $0x8F2B, s0  }
0xbf: {  	[sflag:s0] =	ssyncadd.remote.s32 $0x1  }
0xc0: {  	_ =	sfence.sel $0xFFFF  }
0xc1: {  	[dreg:$0x0] =	wrdreg $0xFFFFFFFF;
	(pc) =	sbr.abs _section_cstart, $3  }
0xc2: {  	[dreg:$0x1] =	wrdreg $0xFFFFFFFF  }
0xc3: {  	_ =	task.clear_ibuf [dreg:s8], $0x2FFFF;
	_ =	strace $0x9FFFFFFF  }
0xc4: {  	(tm) =	ssettm $0x7FFFFFFF  }
0xc5: {  	_ =	shalt  }
tec
execute0_lowered:
.L_overlay_start_1:
0x0: {  	(tag) =	ssettag $0x1  }
0x1: {  	v0 =	vimm.s32 $0x1380  }
0x2: {  	vm14 =	vcmask $0x300;
	vm13 =	vcmask $0x704;
	vm12 =	vcmask $0xB08  }
0x3: {  	vm11 =	vcmask $0xF0C;
	vm10 =	vcmask $0x1310;
	vm9 =	vcmask $0x1714  }
0x4: {  	vm8 =	vcmask $0x1B18;
	vm7 =	vcmask $0x1F1C;
	vm6 =	vcmask $0x2320  }
0x5: {  	vm5 =	vcmask $0x2724;
	vm4 =	vcmask $0x2B28;
	vm3 =	vcmask $0x2F2C  }
0x6: {  	vm2 =	vcmask $0x3330;
	vm1 =	vcmask $0x3734;
	vm0 =	vcmask $0x3B38  }
0x7: {  	v6 =	vimm.s32 $0x3380;
	v7 =	vimm.s32 $0x5380;
	v8 =	vimm.s32 $0x7380  }
0x8: {  	v0 =	vsel vm14, $0x0, v0;
	v6 =	vsel vm14, $0x2000, v6;
	v7 =	vsel vm14, $0x4000, v7  }
0x9: {  	v8 =	vsel vm14, $0x6000, v8;
	v0 =	vsel vm13, $0x80, v0;
	v6 =	vsel vm13, $0x2080, v6  }
0xa: {  	s0 =	srdreg.scid;
	v7 =	vsel vm13, $0x4080, v7;
	v8 =	vsel vm13, $0x6080, v8;
	v0 =	vsel vm12, $0x100, v0  }
0xb: {  	s1 =	stileid.u32;
	s6 =	rddreg [dreg:$0x2];
	v6 =	vsel vm12, $0x2100, v6;
	v7 =	vsel vm12, $0x4100, v7;
	v8 =	vsel vm12, $0x6100, v8  }
0xc: {  	s7 =	simm.s32 $0x0;
	s15 =	simm.s32 $0x1C500;
	s18 =	simm.s32 $0xC100;
	v0 =	vsel vm11, $0x180, v0;
	v6 =	vsel vm11, $0x2180, v6;
	v7 =	vsel vm11, $0x4180, v7  }
0xd: {  	s19 =	simm.s32 $0x3;
	s20 =	simm.s32 $0x4;
	s21 =	simm.s32 $0x14100;
	v8 =	vsel vm11, $0x6180, v8;
	v0 =	vsel vm10, $0x200, v0;
	v6 =	vsel vm10, $0x2200, v6  }
0xe: {  	s23 =	simm.s32 $0x0;
	s0 =	sand.u32 $0x1, s0;
	s1 =	sshll.u32 s1, $0x1;
	v7 =	vsel vm10, $0x4200, v7;
	v8 =	vsel vm10, $0x6200, v8;
	v0 =	vsel vm9, $0x280, v0  }
0xf: {  	[smem:$0x7FF] =	sst s7;
	s8 =	sadd.s32 $0x600, s6;
	s22 =	sor.u32 s0, s1;
	v6 =	vsel vm9, $0x2280, v6;
	v7 =	vsel vm9, $0x4280, v7;
	v8 =	vsel vm9, $0x6280, v8  }
0x10: {  	s9 =	sadd.s32 $0xA00, s6;
	s0 =	ssub.s32 $0x2, s0;
	s1 =	smul.u32 $0x7A1, s22;
	v0 =	vsel vm8, $0x300, v0;
	v6 =	vsel vm8, $0x2300, v6;
	v7 =	vsel vm8, $0x4300, v7  }
0x11: {  	p0 =	seq.s32 s22, $0x1F;
	s10 =	sshrl.u32 s0, $0x1;
	p2 =	sne.s32 s22, $0x1F;
	v8 =	vsel vm8, $0x6300, v8;
	v0 =	vsel vm7, $0x380, v0;
	v6 =	vsel vm7, $0x2380, v6  }
0x12: {  	s22 =	simm.s32 $0x2;
	s2 =	sadd.s32 $0x7A1, s1;
	s1 =	sshrl.u32 s1, $0x5;
	v7 =	vsel vm7, $0x4380, v7;
	v8 =	vsel vm7, $0x6380, v8;
	v0 =	vsel vm6, $0x1000, v0  }
0x13: {  	s0 =	ssub.s32 s0, s10;
	s2 =	sshrl.u32 s2, $0x5;
	s4 =	sshll.u32 s1, $0x9;
	v6 =	vsel vm6, $0x3000, v6;
	v7 =	vsel vm6, $0x5000, v7;
	v8 =	vsel vm6, $0x7000, v8  }
0x14: {  	s28 =	sadd.s32 $0x1, s1;
	s3 =	sshll.u32 s2, $0x9;
	s5 =	ssub.s32 $0x114200, s4;
	v1 =	vsel vm5, $0x1080, v0;
	v0 =	vmov s4;
	v6 =	vsel vm5, $0x3080, v6  }
0x15: {  	s26 =	ssub.s32 s2, s1;
	s12 =	sshll.u32 s28, $0x9;
	s3 =	simm.s32 @p0 $0xF4240;
	v7 =	vsel vm5, $0x5080, v7;
	v8 =	vsel vm5, $0x7080, v8;
	v2 =	vsel vm4, $0x1100, v1  }
0x16: {  	s11 =	sadd.s32 $0x1, s26;
	p6 =	slt.s32 s26, $0x0;
	v1 =	vmov s3;
	s3 =	ssub.s32 $0xF4200, s4;
	v6 =	vsel vm4, $0x3100, v6;
	v7 =	vsel vm4, $0x5100, v7  }
0x17: {  	s29 =	sand.u32 $0x1FFFFE00, s12;
	s13 =	sand.u32 $0x8000, s11;
	s14 =	sand.u32 $0x1, s11;
	v8 =	vsel vm4, $0x7100, v8;
	v3 =	vsel vm3, $0x1180, v2;
	v2 =	vmov s3  }
0x18: {  	s12 =	simm.s32 $0x1;
	s13 =	sshrl.u32 s13, $0xF;
	p1 =	seq.s32 s14, $0x1;
	v6 =	vsel vm3, $0x3180, v6;
	v7 =	vsel vm3, $0x5180, v7;
	v8 =	vsel vm3, $0x7180, v8  }
0x19: {  	s14 =	smax.u32 s0, $0x1;
	s11 =	sadd.s32 s13, s11;
	p0 =	por !p6, !p1;
	v4 =	vsel vm2, $0x1200, v3;
	v3 =	vmov s5;
	v6 =	vsel vm2, $0x3200, v6  }
.Ltmp0:
0x1a: {  	s13 =	simm.s32 $0x1;
	s30 =	sshll.u32 s11, $0x10;
	v5 =	vsel vm1, $0x1280, v4;
	v4 =	vlaneseq.u32;
	v9 =	vsel vm1, $0x3280, v6;
	(pc) =	sbr.rel .LBB2_1-.Ltmp0, $4  }
0x1b: {  	p0 =	por !p0, !p0;
	s5 =	rddreg [dreg:$0x1];
	_ =	strace $0x80000047;
	v6 =	vsel vm2, $0x5200, v7;
	v7 =	vsel vm2, $0x7200, v8;
	v5 =	vsel vm0, $0x1300, v5  }
0x1c: {  	[dreg:$0x4] =	wrdreg s8;
	s31 =	sshra.s32 s30, $0x11;
	s13 =	simm.s32 @!p0 $0x0;
	v8 =	vsel vm1, $0x5280, v6;
	v10 =	vsel vm1, $0x7280, v7;
	v6 =	vmul.u32 $0x80, v4  }
0x1d: {  	p0 =	sge.u32 s28, s2;
	s4 =	sadd.s32 s5, s4;
	s13 =	ssub.s32 s31, s13;
	v7 =	vsel vm0, $0x3300, v9;
	v8 =	vsel vm0, $0x5300, v8;
	v9 =	vsel vm0, $0x7300, v10  }
0x1e: {  	s11 =	sadd.s32 s5, s29;
	[dreg:$0x5] =	wrdreg s4;
	p1 =	slt.s32 s13, $0x1;
	v10 =	vor.u32 $0x800, v6;
	v11 =	vor.u32 $0x1000, v6;
	v12 =	vor.u32 $0x1800, v6  }
.LBB2_51:
0x1f: {  	[sflag:s22] =	ssyncadd.s32 $0xFFFFFFC0  }
.LBB2_52:
0x20: {  	s23 =	sadd.s32 $0x1, s23  }
0x21: {  	p3 =	sne.s32 s23, s14  }
.Ltmp1:
0x22: {  	_ = 	snop;
	(pc) =	sbr.rel @!p3 .LBB2_53-.Ltmp1, $1  }
0x23: {  	_ =	sdelay $0x3  }
.LBB2_1:
0x24: {  	s0 =	rddreg [dreg:$0x0]  }
0x25: {  	[tilespmem:s7], [sflag:$0x1] =	stream.linear.gather [hbm4b:s0+s7], $0x4000, $0x38;
	[tilespmem:$0x1E500] =	vst v63  }
0x26: {  	s30 =	rddreg [dreg:$0x4]  }
0x27: {  	[tilespmem:s15], [sflag:$0x1] =	stream.linear.gather [hbm4b:s30+s7], $0x2000, $0x38;
	[tilespmem:$0x1E500] =	vst v63  }
0x28: {  	s31 =	rddreg [dreg:$0x5];
	s4 =	simm.s32 $0x1000;
	s6 =	simm.s32 $0x7A1400  }
0x29: {  	[tilespmem:s18], [sflag:$0x3] =	stream.strided.gather [hbm4b:s31+s4], $0x8000, s6, s4, $0x38;
	[tilespmem:$0x1E500] =	vst v63  }
0x2a: {  	s0 =	simm.s32 @!p0 $0x1000;
	s4 =	simm.s32 @!p0 $0x7A1400;
	s6 =	simm.s32 @!p0 $0x14100  }
0x2b: {  	[tilespmem:s6], [sflag:$0x4] =	stream.strided.gather @!p0 [hbm4b:s11+s0], $0x8000, s4, s0, $0x38;
	[tilespmem:$0x1E500] =	vst v63  }
0x2c: {  	_ =	swait.ge [sflag:s12], $0x4000  }
0x2d: {  	[sflag:s12] =	ssyncset.done $0x0  }
0x2e: {  	[sflag:s12] =	ssyncadd.s32 $0xFFFFC000  }
0x2f: {  	_ =	swait.ge [sflag:s12], $0x2000  }
0x30: {  	[sflag:s12] =	ssyncset.done $0x0  }
0x31: {  	[sflag:s12] =	ssyncadd.s32 $0xFFFFE000  }
0x32: {  	v13 =	vld [tilespmem:s7+$0x0];
	_ =	sdelay $0x4  }
0x33: {  	vm0 =	vge.s32 v13, v0;
	vm1 =	vlt.s32 v13, v1  }
0x34: {  	vm0 =	vmand vm0, vm1  }
0x35: {  	v14 =	vmpcnt.ones.xlane vm0;
	_ =	sdelay $0x1  }
0x36: {  	(v2sf) =	vpush v14, $0x0  }
0x37: {  	v13 =	vsub.s32 v13, v0  }
0x38: {  	v13 =	vshll.u32 v13, $0xE  }
0x39: {  	v13 =	vadd.s32 s7, v13  }
0x3a: {  	v13 =	vadd.s32 v4, v13  }
0x3b: {  	s0 =	simm.s32 $0x10;
	[tilespmem:s7+$0x4000] =	vst.msk vm0, v13  }
0x3c: {  	v13 =	vld [tilespmem:s0+$0x0];
	_ =	sdelay $0x4  }
0x3d: {  	vm0 =	vge.s32 v13, v0;
	vm1 =	vlt.s32 v13, v1  }
0x3e: {  	v13 =	vsub.s32 v13, v0;
	vm0 =	vmand vm0, vm1  }
0x3f: {  	v13 =	vshll.u32 v13, $0xE;
	v14 =	vmpcnt.ones.xlane vm0  }
0x40: {  	v13 =	vadd.s32 s0, v13  }
0x41: {  	s4 =	simm.s32 $0x20;
	s6 =	simm.s32 $0x0;
	v13 =	vadd.s32 v4, v13;
	(v2sf) =	vpush v14, $0x0;
	s16 =	spop (v2sf)  }
.LBB2_2:
0x42: {  	p3 =	sne.s32 s4, $0x3FF0  }
0x43: {  	s6 =	sadd.s32 s6, s16;
	s16 =	smov.u32 s4;
	s4 =	sadd.s32 $0x10, s4  }
0x44: {  	[tilespmem:s6+$0x4000] =	vst.msk vm0, v13  }
0x45: {  	s0 =	sadd.s32 $0x10, s0  }
0x46: {  	v13 =	vld [tilespmem:s0+$0x0];
	_ =	sdelay $0x4  }
0x47: {  	vm0 =	vge.s32 v13, v0;
	vm1 =	vlt.s32 v13, v1;
	v13 =	vsub.s32 v13, v0  }
.Ltmp2:
0x48: {  	vm0 =	vmand vm0, vm1;
	v13 =	vshll.u32 v13, $0xE;
	(pc) =	sbr.rel @p3 .LBB2_2-.Ltmp2, $4  }
0x49: {  	v13 =	vadd.s32 s16, v13;
	v14 =	vmpcnt.ones.xlane vm0  }
0x4a: {  	v13 =	vadd.s32 v4, v13  }
0x4b: {  	(v2sf) =	vpush v14, $0x0  }
0x4c: {  	s16 =	spop (v2sf)  }
0x4d: {  	_ =	sdelay $0xa  }
.Ltmp3:
0x4e: {  	_ = 	snop;
	(pc) =	sbr.rel @p1 .LBB2_4-.Ltmp3, $4  }
0x4f: {  	_ = 	snop  }
0x50: {  	s0 =	sadd.s32 s6, s16;
	s4 =	spop (v2sf)  }
0x51: {  	s24 =	sadd.s32 s0, s4  }
0x52: {  	[tilespmem:s0+$0x4000] =	vst.msk vm0, v13;
	v13 =	vmov s24  }
0x53: {  	s0 =	sadd.s32 $0xF, s24  }
0x54: {  	s4 =	sand.u32 $0xF, s0  }
0x55: {  	s6 =	sshra.s32 s0, $0x1F;
	p3 =	slt.s32 s0, $0x1;
	p4 =	sne.s32 s4, $0x0  }
.Ltmp4:
0x56: {  	s31 =	sshrl.u32 s6, $0x1C;
	p3 =	por !p3, !p4;
	(pc) =	sbr.rel .LBB2_6-.Ltmp4, $4  }
0x57: {  	s4 =	simm.s32 $0x1;
	s0 =	sadd.s32 s31, s0;
	p3 =	por !p3, !p3  }
0x58: {  	s0 =	sshra.s32 s0, $0x4;
	s4 =	simm.s32 @!p3 $0x0  }
0x59: {  	s25 =	ssub.s32 s0, s4  }
0x5a: {  	s30 =	simm.s32 $0x0;
	s26 =	simm.s32 $0x0;
	p3 =	slt.s32 s25, $0x1  }
.LBB2_21:
0x5b: {  	s31 =	smov.u32 s28  }
.LBB2_33:
0x5c: {  	s0 =	sadd.s32 $0x3, s29  }
0x5d: {  	p4 =	sge.u32 s0, s2  }
0x5e: {  	s0 =	sshll.u32 @!p4 s0, $0x9  }
0x5f: {  	s28 =	smov.u32 s31;
	s4 =	simm.s32 @!p4 $0x1000;
	s0 =	sand.u32 @!p4 $0x1FFFFE00, s0  }
0x60: {  	s6 =	simm.s32 @!p4 $0x7A1400;
	s8 =	simm.s32 @!p4 $0x14100;
	s0 =	sadd.s32 @!p4 s5, s0  }
0x61: {  	[tilespmem:s8], [sflag:$0x4] =	stream.strided.gather @!p4 [hbm4b:s0+s4], $0x8000, s6, s4, $0x38;
	[tilespmem:$0x1E500] =	vst v63  }
.LBB2_34:
0x62: {  	s26 =	sadd.s32 $0x1, s26  }
0x63: {  	p4 =	slt.s32 s26, s13  }
.Ltmp5:
0x64: {  	_ = 	snop;
	(pc) =	sbr.rel @!p4 .LBB2_35-.Ltmp5, $2  }
0x65: {  	_ =	sdelay $0x2  }
0x66: {  	s30 =	smov.u32 s28  }
.LBB2_6:
.Ltmp6:
0x67: {  	(pc) =	sbr.rel @p3 .LBB2_7-.Ltmp6, $4  }
0x68: {  	_ = 	snop  }
0x69: {  	_ =	swait.ge [sflag:s19], $0x8000  }
0x6a: {  	[sflag:s19] =	ssyncset.done $0x0  }
0x6b: {  	[sflag:s19] =	ssyncadd.s32 $0xFFFF8000  }
0x6c: {  	p5 =	seq.s32 s25, $0x1  }
.Ltmp7:
0x6d: {  	_ = 	snop;
	(pc) =	sbr.rel @p5 .LBB2_11-.Ltmp7, $4  }
0x6e: {  	_ = 	snop  }
0x6f: {  	s29 =	sshll.u32 s26, $0xA  }
0x70: {  	s4 =	simm.s32 $0x4000;
	s0 =	sor.u32 $0x200, s29  }
0x71: {  	p4 =	por $0x0, $0x0;
	v14 =	vmov s29;
	v16 =	vld [tilespmem:s4+$0x0];
	s4 =	sadd.s32 $0xFFFFFFFF, s25;
	v15 =	vmov s0;
	s0 =	simm.s32 $0x0  }
0x72: {  	_ =	sdelay $0x3  }
0x73: {  	v18 =	vor.u32 s0, v4;
	v17 =	vshrl.u32 v16, $0xE  }
0x74: {  	vm0 =	vlt.s32 v18, v13;
	vm1 =	vlt.s32 v17, v15  }
0x75: {  	vm2 =	vge.s32 v17, v14;
	vm0 =	vmand vm0, vm1  }
0x76: {  	vm0 =	vmand vm0, vm2  }
0x77: {  	v17 =	vmpcnt.ones.xlane vm0;
	_ =	sdelay $0x1  }
0x78: {  	p5 =	seq.s32 s4, $0x1;
	(v2sf) =	vpush v17, $0x0  }
.Ltmp8:
0x79: {  	_ = 	snop;
	(pc) =	sbr.rel @p5 .LBB2_13-.Ltmp8, $3  }
0x7a: {  	_ =	sdelay $0x1  }
0x7b: {  	s16 =	simm.s32 $0x4010;
	s28 =	sadd.s32 $0xFFFFFFFF, s4;
	[tilespmem:s0+$0x8080] =	vst.msk vm0, v16  }
0x7c: {  	p4 =	por $0x1, $0x1;
	s6 =	simm.s32 $0x0;
	s4 =	simm.s32 $0x0;
	v16 =	vld [tilespmem:s16+$0x0]  }
.LBB2_14:
0x7d: {  	p5 =	seq.s32 s28, $0x1;
	_ =	sdelay $0x2  }
0x7e: {  	s6 =	sadd.s32 $0x10, s6  }
0x7f: {  	v18 =	vor.u32 s6, v4;
	v17 =	vshrl.u32 v16, $0xE  }
0x80: {  	vm0 =	vlt.s32 v18, v13;
	vm1 =	vlt.s32 v17, v15  }
0x81: {  	vm2 =	vge.s32 v17, v14;
	vm0 =	vmand vm0, vm1  }
0x82: {  	vm0 =	vmand vm0, vm2  }
0x83: {  	v17 =	vmpcnt.ones.xlane vm0  }
0x84: {  	s17 =	spop (v2sf)  }
0x85: {  	(v2sf) =	vpush v17, $0x0;
	s4 =	sadd.s32 s4, s17  }
.Ltmp9:
0x86: {  	[tilespmem:s4+$0x8080] =	vst.msk vm0, v16;
	(pc) =	sbr.rel @!p5 .LBB2_14-.Ltmp9, $3  }
0x87: {  	_ =	sdelay $0x1  }
0x88: {  	s16 =	sadd.s32 $0x10, s16  }
0x89: {  	s28 =	sadd.s32 $0xFFFFFFFF, s28;
	v16 =	vld [tilespmem:s16+$0x0]  }
.LBB2_15:
0x8a: {  	_ =	sdelay $0x1  }
0x8b: {  	s6 =	sadd.s32 @p4 $0x10, s6;
	s16 =	simm.s32 $0x0  }
0x8c: {  	s16 =	smov.u32 @p4 s6  }
0x8d: {  	v18 =	vor.u32 s16, v4;
	v17 =	vshrl.u32 v16, $0xE  }
0x8e: {  	vm0 =	vlt.s32 v18, v13;
	vm1 =	vlt.s32 v17, v15  }
0x8f: {  	vm2 =	vge.s32 v17, v14;
	vm0 =	vmand vm0, vm1  }
0x90: {  	vm0 =	vmand vm0, vm2  }
0x91: {  	v14 =	vmpcnt.ones.xlane vm0;
	_ =	sdelay $0x1  }
0x92: {  	(v2sf) =	vpush v14, $0x0;
	_ =	sdelay $0xc  }
0x93: {  	s6 =	spop @p4 (v2sf)  }
0x94: {  	s4 =	sadd.s32 @p4 s4, s6  }
0x95: {  	s0 =	smov.u32 @p4 s4;
	s31 =	spop (v2sf)  }
0x96: {  	[tilespmem:s0+$0x8080] =	vst.msk vm0, v16;
	s0 =	sadd.s32 s0, s31  }
0x97: {  	p4 =	slt.s32 s0, $0x1  }
.Ltmp10:
0x98: {  	_ = 	snop;
	(pc) =	sbr.rel @p4 .LBB2_9-.Ltmp10, $1  }
0x99: {  	_ =	sdelay $0x3  }
0x9a: {  	s6 =	simm.s32 $0x8080  }
0x9b: {  	v14 =	vld [tilespmem:s6+$0x0];
	_ =	sdelay $0x4  }
0x9c: {  	(v2sf) =	vpush v14, $0x0;
	_ =	sdelay $0xe  }
0x9d: {  	s8 =	spop (v2sf)  }
0x9e: {  	s16 =	sshrl.u32 s8, $0xE  }
0x9f: {  	s16 =	ssub.s32 s16, s29  }
0xa0: {  	v14 =	vmov s16  }
0xa1: {  	v15 =	vshll.u32 v14, $0x3  }
0xa2: {  	v14 =	vand.u32 $0x7F, v14;
	v15 =	vand.u32 $0xFFFFFC00, v15  }
0xa3: {  	v14 =	vor.u32 v14, v15  }
0xa4: {  	v15 =	vadd.s32 v5, v14;
	_ =	sdelay $0x4  }
0xa5: {  	v15 =	vld.idx.msk [tilespmem:v15+s18+$0x0], $0xffff  }
0xa6: {  	v16 =	vadd.s32 v7, v14;
	_ =	sdelay $0x1  }
0xa7: {  	s4 =	sshll.u32 s30, $0x6  }
0xa8: {  	s16 =	sand.u32 $0x3C0, s4  }
0xa9: {  	[tilespmem:s16+$0x1C100] =	vst v15  }
0xaa: {  	v15 =	vld.idx.msk [tilespmem:v16+s18+$0x0], $0xffff  }
0xab: {  	v63 =	vadd.s32 v8, v14;
	_ =	sdelay $0x3  }
0xac: {  	[tilespmem:s16+$0x1C110] =	vst v15  }
0xad: {  	v15 =	vld.idx.msk [tilespmem:v63+s18+$0x0], $0xffff  }
0xae: {  	v14 =	vadd.s32 v9, v14;
	_ =	sdelay $0x3  }
0xaf: {  	[tilespmem:s16+$0x1C120] =	vst v15  }
0xb0: {  	v14 =	vld.idx.msk [tilespmem:v14+s18+$0x0], $0xffff;
	_ =	sdelay $0x1  }
0xb1: {  	s31 =	sadd.s32 $0xFFFFFFFF, s0  }
0xb2: {  	p5 =	sne.s32 s31, $0x0  }
.Ltmp11:
0xb3: {  	p4 =	slt.s32 s30, $0x10;
	(pc) =	sbr.rel @!p5 .LBB2_18-.Ltmp11, $4  }
0xb4: {  	s28 =	sadd.s32 s30, s0;
	s0 =	sadd.s32 $0x1, s30;
	s17 =	simm.s32 @!p4 $0x2;
	[tilespmem:s16+$0x1C130] =	vst v14  }
0xb5: {  	s6 =	simm.s32 $0x8081;
	s10 =	sshll.u32 s8, $0x3;
	_ =	swait.ge @!p4 [sflag:s17], $0x40  }
0xb6: {  	s30 =	sadd.s32 $0x40, s4;
	s8 =	sand.u32 $0x1FFF8, s10;
	[sflag:s17] =	ssyncset.done @!p4 $0x0  }
0xb7: {  	s4 =	sadd.s32 s9, s8;
	s16 =	sadd.s32 $0x1C100, s16;
	[sflag:s17] =	ssyncadd.s32 @!p4 $0xFFFFFFC0  }
.LBB2_17:
0xb8: {  	[hbm4b:s4+s7] =	stream.linear.scatter [tilespmem:s16], [sflag:$0x2], $0x40, $0x38;
	[tilespmem:$0x1E500] =	vst v63  }
0xb9: {  	s31 =	sadd.s32 $0xFFFFFFFF, s31;
	v14 =	vld [tilespmem:s6+$0x0]  }
0xba: {  	p4 =	sne.s32 s31, $0x0;
	_ =	sdelay $0x3  }
0xbb: {  	(v2sf) =	vpush v14, $0x0;
	_ =	sdelay $0xe  }
0xbc: {  	s4 =	spop (v2sf)  }
0xbd: {  	s8 =	sshrl.u32 s4, $0xE;
	s4 =	sshll.u32 s4, $0x3  }
0xbe: {  	s8 =	ssub.s32 s8, s29;
	s4 =	sand.u32 $0x1FFF8, s4  }
0xbf: {  	v14 =	vmov s8  }
0xc0: {  	v15 =	vshll.u32 v14, $0x3  }
0xc1: {  	v14 =	vand.u32 $0x7F, v14;
	v15 =	vand.u32 $0xFFFFFC00, v15  }
0xc2: {  	v14 =	vor.u32 v14, v15  }
0xc3: {  	v15 =	vadd.s32 v5, v14;
	_ =	sdelay $0x4  }
0xc4: {  	v15 =	vld.idx.msk [tilespmem:v15+s18+$0x0], $0xffff;
	_ =	sdelay $0x1  }
0xc5: {  	v16 =	vadd.s32 v7, v14;
	_ =	sdelay $0x2  }
0xc6: {  	s8 =	sand.u32 $0x3C0, s30  }
0xc7: {  	[tilespmem:s8+$0x1C100] =	vst v15  }
0xc8: {  	v15 =	vld.idx.msk [tilespmem:v16+s18+$0x0], $0xffff;
	_ =	sdelay $0x1  }
0xc9: {  	v16 =	vadd.s32 v8, v14;
	_ =	sdelay $0x3  }
0xca: {  	[tilespmem:s8+$0x1C110] =	vst v15  }
0xcb: {  	v15 =	vld.idx.msk [tilespmem:v16+s18+$0x0], $0xffff;
	_ =	sdelay $0x1  }
0xcc: {  	v14 =	vadd.s32 v9, v14;
	_ =	sdelay $0x3  }
0xcd: {  	[tilespmem:s8+$0x1C120] =	vst v15  }
0xce: {  	v14 =	vld.idx.msk [tilespmem:v14+s18+$0x0], $0xffff;
	_ =	sdelay $0x4  }
.Ltmp12:
0xcf: {  	p5 =	slt.s32 s0, $0x10;
	(pc) =	sbr.rel @p4 .LBB2_17-.Ltmp12, $4  }
0xd0: {  	s17 =	simm.s32 @!p5 $0x2;
	[tilespmem:s8+$0x1C130] =	vst v14  }
0xd1: {  	s6 =	sadd.s32 $0x1, s6;
	_ =	swait.ge @!p5 [sflag:s17], $0x40  }
0xd2: {  	s0 =	sadd.s32 $0x1, s0;
	s30 =	sadd.s32 $0x40, s30;
	[sflag:s17] =	ssyncset.done @!p5 $0x0  }
0xd3: {  	s4 =	sadd.s32 s9, s4;
	s16 =	sadd.s32 $0x1C100, s8;
	[sflag:s17] =	ssyncadd.s32 @!p5 $0xFFFFFFC0  }
.LBB2_18:
.Ltmp13:
0xd4: {  	(pc) =	sbr.rel .LBB2_19-.Ltmp13, $2  }
0xd5: {  	_ =	sdelay $0x2  }
0xd6: {  	[hbm4b:s4+s7] =	stream.linear.scatter [tilespmem:s16], [sflag:$0x2], $0x40, $0x38;
	[tilespmem:$0x1E500] =	vst v63  }
.LBB2_7:
.Ltmp14:
0xd7: {  	(pc) =	sbr.rel .LBB2_19-.Ltmp14, $2  }
0xd8: {  	_ =	sdelay $0x2  }
0xd9: {  	s28 =	smov.u32 s30  }
.LBB2_9:
0xda: {  	s28 =	smov.u32 s30  }
.LBB2_19:
0xdb: {  	s0 =	sshll.u32 s26, $0x1  }
0xdc: {  	s29 =	sadd.s32 s1, s0  }
0xdd: {  	s0 =	sadd.s32 $0x2, s29  }
0xde: {  	p4 =	sge.u32 s0, s2  }
0xdf: {  	s0 =	sshll.u32 @!p4 s0, $0x9;
	s6 =	simm.s32 @!p4 $0x1000  }
0xe0: {  	s8 =	simm.s32 @!p4 $0x7A1400;
	s4 =	sand.u32 @!p4 $0x1FFFFE00, s0  }
0xe1: {  	s16 =	simm.s32 @!p4 $0xC100;
	s0 =	sadd.s32 $0x1, s29;
	s4 =	sadd.s32 @!p4 s5, s4  }
0xe2: {  	[tilespmem:s16], [sflag:$0x3] =	stream.strided.gather @!p4 [hbm4b:s4+s6], $0x8000, s8, s6, $0x38;
	[tilespmem:$0x1E500] =	vst v63  }
0xe3: {  	p4 =	sge.u32 s0, s2  }
.Ltmp15:
0xe4: {  	_ = 	snop;
	(pc) =	sbr.rel @p4 .LBB2_34-.Ltmp15, $1  }
0xe5: {  	_ =	sdelay $0x3  }
.Ltmp16:
0xe6: {  	(pc) =	sbr.rel @p3 .LBB2_21-.Ltmp16, $4  }
0xe7: {  	_ = 	snop  }
0xe8: {  	_ =	swait.ge [sflag:s20], $0x8000  }
0xe9: {  	[sflag:s20] =	ssyncset.done $0x0  }
0xea: {  	[sflag:s20] =	ssyncadd.s32 $0xFFFF8000  }
0xeb: {  	p5 =	seq.s32 s25, $0x1  }
.Ltmp17:
0xec: {  	_ = 	snop;
	(pc) =	sbr.rel @p5 .LBB2_25-.Ltmp17, $4  }
0xed: {  	s0 =	ssub.s32 s0, s1  }
0xee: {  	s30 =	sshll.u32 s0, $0x9  }
0xef: {  	s4 =	simm.s32 $0x4000;
	s0 =	sadd.s32 $0x200, s30  }
0xf0: {  	p4 =	por $0x0, $0x0;
	v16 =	vld [tilespmem:s4+$0x0];
	s4 =	sadd.s32 $0xFFFFFFFF, s25;
	v15 =	vmov s30;
	v14 =	vmov s0;
	s0 =	simm.s32 $0x0  }
0xf1: {  	_ =	sdelay $0x3  }
0xf2: {  	v18 =	vor.u32 s0, v4;
	v17 =	vshrl.u32 v16, $0xE  }
0xf3: {  	vm0 =	vlt.s32 v18, v13;
	vm1 =	vge.u32 v17, v15  }
0xf4: {  	vm15 =	vlt.u32 v17, v14;
	vm0 =	vmand vm0, vm1  }
0xf5: {  	vm0 =	vmand vm15, vm0  }
0xf6: {  	v17 =	vmpcnt.ones.xlane vm0;
	_ =	sdelay $0x1  }
0xf7: {  	p5 =	seq.s32 s4, $0x1;
	(v2sf) =	vpush v17, $0x0  }
.Ltmp18:
0xf8: {  	_ = 	snop;
	(pc) =	sbr.rel @p5 .LBB2_27-.Ltmp18, $3  }
0xf9: {  	_ =	sdelay $0x1  }
0xfa: {  	s16 =	simm.s32 $0x4010;
	s31 =	sadd.s32 $0xFFFFFFFF, s4;
	[tilespmem:s0+$0x8080] =	vst.msk vm0, v16  }
0xfb: {  	p4 =	por $0x1, $0x1;
	s6 =	simm.s32 $0x0;
	s4 =	simm.s32 $0x0;
	v16 =	vld [tilespmem:s16+$0x0]  }
.LBB2_28:
0xfc: {  	p5 =	seq.s32 s31, $0x1;
	_ =	sdelay $0x2  }
0xfd: {  	s6 =	sadd.s32 $0x10, s6  }
0xfe: {  	v18 =	vor.u32 s6, v4;
	v17 =	vshrl.u32 v16, $0xE  }
0xff: {  	vm0 =	vlt.s32 v18, v13;
	vm1 =	vge.u32 v17, v15  }
0x100: {  	vm0 =	vmand vm0, vm1;
	vm1 =	vlt.u32 v17, v14  }
0x101: {  	vm0 =	vmand vm1, vm0  }
0x102: {  	v17 =	vmpcnt.ones.xlane vm0  }
0x103: {  	s8 =	spop (v2sf)  }
0x104: {  	(v2sf) =	vpush v17, $0x0;
	s4 =	sadd.s32 s4, s8  }
.Ltmp19:
0x105: {  	[tilespmem:s4+$0x8080] =	vst.msk vm0, v16;
	(pc) =	sbr.rel @!p5 .LBB2_28-.Ltmp19, $3  }
0x106: {  	_ =	sdelay $0x1  }
0x107: {  	s16 =	sadd.s32 $0x10, s16  }
0x108: {  	s31 =	sadd.s32 $0xFFFFFFFF, s31;
	v16 =	vld [tilespmem:s16+$0x0]  }
.LBB2_29:
0x109: {  	_ =	sdelay $0x1  }
0x10a: {  	s6 =	sadd.s32 @p4 $0x10, s6;
	s8 =	simm.s32 $0x0  }
0x10b: {  	s8 =	smov.u32 @p4 s6  }
0x10c: {  	v18 =	vor.u32 s8, v4;
	v17 =	vshrl.u32 v16, $0xE  }
0x10d: {  	vm0 =	vlt.s32 v18, v13;
	vm1 =	vge.u32 v17, v15  }
0x10e: {  	vm15 =	vlt.u32 v17, v14;
	vm0 =	vmand vm0, vm1  }
0x10f: {  	vm0 =	vmand vm15, vm0  }
0x110: {  	v14 =	vmpcnt.ones.xlane vm0;
	_ =	sdelay $0x1  }
0x111: {  	(v2sf) =	vpush v14, $0x0;
	_ =	sdelay $0xc  }
0x112: {  	s6 =	spop @p4 (v2sf)  }
0x113: {  	s4 =	sadd.s32 @p4 s4, s6  }
0x114: {  	s0 =	smov.u32 @p4 s4;
	s31 =	spop (v2sf)  }
0x115: {  	[tilespmem:s0+$0x8080] =	vst.msk vm0, v16;
	s0 =	sadd.s32 s0, s31  }
0x116: {  	p4 =	slt.s32 s0, $0x1  }
.Ltmp20:
0x117: {  	_ = 	snop;
	(pc) =	sbr.rel @p4 .LBB2_23-.Ltmp20, $1  }
0x118: {  	_ =	sdelay $0x3  }
0x119: {  	s6 =	simm.s32 $0x8080  }
0x11a: {  	v14 =	vld [tilespmem:s6+$0x0];
	_ =	sdelay $0x4  }
0x11b: {  	(v2sf) =	vpush v14, $0x0;
	_ =	sdelay $0xe  }
0x11c: {  	s8 =	spop (v2sf)  }
0x11d: {  	s16 =	sshrl.u32 s8, $0xE  }
0x11e: {  	s6 =	ssub.s32 s16, s30  }
0x11f: {  	v14 =	vmov s6  }
0x120: {  	v15 =	vshll.u32 v14, $0x3  }
0x121: {  	v14 =	vand.u32 $0x7F, v14;
	v15 =	vand.u32 $0xFFFFFC00, v15  }
0x122: {  	v14 =	vor.u32 v14, v15  }
0x123: {  	v15 =	vadd.s32 v5, v14;
	_ =	sdelay $0x4  }
0x124: {  	v15 =	vld.idx.msk [tilespmem:v15+s21+$0x0], $0xffff  }
0x125: {  	v16 =	vadd.s32 v7, v14;
	_ =	sdelay $0x1  }
0x126: {  	s4 =	sshll.u32 s28, $0x6  }
0x127: {  	s16 =	sand.u32 $0x3C0, s4  }
0x128: {  	[tilespmem:s16+$0x1C100] =	vst v15  }
0x129: {  	v15 =	vld.idx.msk [tilespmem:v16+s21+$0x0], $0xffff  }
0x12a: {  	v63 =	vadd.s32 v8, v14;
	_ =	sdelay $0x3  }
0x12b: {  	[tilespmem:s16+$0x1C110] =	vst v15  }
0x12c: {  	v15 =	vld.idx.msk [tilespmem:v63+s21+$0x0], $0xffff  }
0x12d: {  	v14 =	vadd.s32 v9, v14;
	_ =	sdelay $0x3  }
0x12e: {  	[tilespmem:s16+$0x1C120] =	vst v15  }
0x12f: {  	v14 =	vld.idx.msk [tilespmem:v14+s21+$0x0], $0xffff;
	_ =	sdelay $0x1  }
0x130: {  	s6 =	sadd.s32 $0xFFFFFFFF, s0  }
0x131: {  	p5 =	sne.s32 s6, $0x0  }
.Ltmp21:
0x132: {  	p4 =	slt.s32 s28, $0x10;
	(pc) =	sbr.rel @!p5 .LBB2_32-.Ltmp21, $4  }
0x133: {  	s31 =	sadd.s32 s28, s0;
	s17 =	sshll.u32 s8, $0x3;
	s8 =	simm.s32 @!p4 $0x2;
	[tilespmem:s16+$0x1C130] =	vst v14  }
0x134: {  	s28 =	sadd.s32 $0x1, s28;
	s10 =	sand.u32 $0x1FFF8, s17;
	_ =	swait.ge @!p4 [sflag:s8], $0x40  }
0x135: {  	s4 =	sadd.s32 $0x40, s4;
	s0 =	simm.s32 $0x8081;
	[sflag:s8] =	ssyncset.done @!p4 $0x0  }
0x136: {  	s17 =	sadd.s32 $0x1C100, s16;
	s16 =	sadd.s32 s9, s10;
	[sflag:s8] =	ssyncadd.s32 @!p4 $0xFFFFFFC0  }
.LBB2_31:
0x137: {  	[hbm4b:s16+s7] =	stream.linear.scatter [tilespmem:s17], [sflag:$0x2], $0x40, $0x38;
	[tilespmem:$0x1E500] =	vst v63  }
0x138: {  	s6 =	sadd.s32 $0xFFFFFFFF, s6;
	v14 =	vld [tilespmem:s0+$0x0]  }
0x139: {  	p4 =	sne.s32 s6, $0x0;
	_ =	sdelay $0x3  }
0x13a: {  	(v2sf) =	vpush v14, $0x0;
	_ =	sdelay $0xe  }
0x13b: {  	s8 =	spop (v2sf)  }
0x13c: {  	s10 =	sshrl.u32 s8, $0xE;
	s8 =	sshll.u32 s8, $0x3  }
0x13d: {  	s10 =	ssub.s32 s10, s30;
	s16 =	sand.u32 $0x1FFF8, s8  }
0x13e: {  	v14 =	vmov s10  }
0x13f: {  	v15 =	vshll.u32 v14, $0x3  }
0x140: {  	v14 =	vand.u32 $0x7F, v14;
	v15 =	vand.u32 $0xFFFFFC00, v15  }
0x141: {  	v14 =	vor.u32 v14, v15  }
0x142: {  	v15 =	vadd.s32 v5, v14;
	_ =	sdelay $0x4  }
0x143: {  	v15 =	vld.idx.msk [tilespmem:v15+s21+$0x0], $0xffff;
	_ =	sdelay $0x1  }
0x144: {  	v16 =	vadd.s32 v7, v14;
	_ =	sdelay $0x2  }
0x145: {  	s8 =	sand.u32 $0x3C0, s4  }
0x146: {  	[tilespmem:s8+$0x1C100] =	vst v15  }
0x147: {  	v15 =	vld.idx.msk [tilespmem:v16+s21+$0x0], $0xffff;
	_ =	sdelay $0x1  }
0x148: {  	v16 =	vadd.s32 v8, v14;
	_ =	sdelay $0x3  }
0x149: {  	[tilespmem:s8+$0x1C110] =	vst v15  }
0x14a: {  	v15 =	vld.idx.msk [tilespmem:v16+s21+$0x0], $0xffff;
	_ =	sdelay $0x1  }
0x14b: {  	v14 =	vadd.s32 v9, v14;
	_ =	sdelay $0x3  }
0x14c: {  	[tilespmem:s8+$0x1C120] =	vst v15  }
0x14d: {  	v14 =	vld.idx.msk [tilespmem:v14+s21+$0x0], $0xffff;
	_ =	sdelay $0x4  }
.Ltmp22:
0x14e: {  	p5 =	slt.s32 s28, $0x10;
	(pc) =	sbr.rel @p4 .LBB2_31-.Ltmp22, $4  }
0x14f: {  	s10 =	simm.s32 @!p5 $0x2;
	[tilespmem:s8+$0x1C130] =	vst v14  }
0x150: {  	s0 =	sadd.s32 $0x1, s0;
	_ =	swait.ge @!p5 [sflag:s10], $0x40  }
0x151: {  	s28 =	sadd.s32 $0x1, s28;
	s4 =	sadd.s32 $0x40, s4;
	[sflag:s10] =	ssyncset.done @!p5 $0x0  }
0x152: {  	s17 =	sadd.s32 $0x1C100, s8;
	s16 =	sadd.s32 s9, s16;
	[sflag:s10] =	ssyncadd.s32 @!p5 $0xFFFFFFC0  }
.LBB2_32:
.Ltmp23:
0x153: {  	(pc) =	sbr.rel .LBB2_33-.Ltmp23, $2  }
0x154: {  	_ =	sdelay $0x2  }
0x155: {  	[hbm4b:s16+s7] =	stream.linear.scatter [tilespmem:s17], [sflag:$0x2], $0x40, $0x38;
	[tilespmem:$0x1E500] =	vst v63  }
.LBB2_23:
.Ltmp24:
0x156: {  	(pc) =	sbr.rel .LBB2_33-.Ltmp24, $2  }
0x157: {  	_ =	sdelay $0x2  }
0x158: {  	s31 =	smov.u32 s28  }
.LBB2_11:
.Ltmp25:
0x159: {  	(pc) =	sbr.rel .LBB2_15-.Ltmp25, $2  }
0x15a: {  	_ =	sdelay $0x2  }
0x15b: {  	s6 =	simm.s32 $0x0;
	s4 =	simm.s32 $0x0  }
.LBB2_13:
.Ltmp26:
0x15c: {  	(pc) =	sbr.rel .LBB2_15-.Ltmp26, $2  }
0x15d: {  	_ =	sdelay $0x2  }
0x15e: {  	s6 =	simm.s32 $0x0;
	s4 =	simm.s32 $0x0  }
.LBB2_25:
.Ltmp27:
0x15f: {  	(pc) =	sbr.rel .LBB2_29-.Ltmp27, $2  }
0x160: {  	_ =	sdelay $0x2  }
0x161: {  	s6 =	simm.s32 $0x0;
	s4 =	simm.s32 $0x0  }
.LBB2_27:
.Ltmp28:
0x162: {  	(pc) =	sbr.rel .LBB2_29-.Ltmp28, $2  }
0x163: {  	_ =	sdelay $0x2  }
0x164: {  	s6 =	simm.s32 $0x0;
	s4 =	simm.s32 $0x0  }
.LBB2_4:
0x165: {  	s28 =	simm.s32 $0x0  }
.LBB2_35:
0x166: {  	s0 =	sadd.s32 @!p2 $0xF, s24  }
0x167: {  	s4 =	sand.u32 @!p2 $0xF, s0  }
0x168: {  	p3 =	slt.s32 @!p2 s0, $0x1;
	p4 =	sne.s32 @!p2 s4, $0x0  }
0x169: {  	s4 =	sshra.s32 @!p2 s0, $0x1F;
	p3 =	por @!p2 !p3, !p4  }
0x16a: {  	s4 =	sshrl.u32 @!p2 s4, $0x1C;
	p3 =	por @!p2 !p3, !p3  }
0x16b: {  	s0 =	sadd.s32 @!p2 s4, s0;
	s4 =	simm.s32 @!p2 $0x1;
	p3 =	por !p3, p2  }
0x16c: {  	s0 =	sshra.s32 @!p2 s0, $0x4;
	s4 =	simm.s32 @p3 $0x0  }
0x16d: {  	s4 =	ssub.s32 @!p2 s0, s4  }
0x16e: {  	p3 =	sgt.s32 @!p2 s4, $0x0  }
0x16f: {  	p3 =	por p2, !p3  }
.Ltmp29:
0x170: {  	_ = 	snop;
	(pc) =	sbr.rel @p3 .LBB2_38-.Ltmp29, $1  }
0x171: {  	_ =	sdelay $0x3  }
0x172: {  	p4 =	seq.s32 s4, $0x1  }
.Ltmp30:
0x173: {  	_ = 	snop;
	(pc) =	sbr.rel @p4 .LBB2_37-.Ltmp30, $3  }
0x174: {  	_ =	sdelay $0x1  }
0x175: {  	s6 =	simm.s32 @!p2 $0x4000  }
0x176: {  	s0 =	simm.s32 @!p2 $0x0;
	s4 =	sadd.s32 $0xFFFFFFFF, s4;
	p3 =	por $0x0, $0x0;
	v14 =	vld [tilespmem:s6+$0x0]  }
0x177: {  	_ =	sdelay $0x3  }
0x178: {  	v16 =	vor.u32 s0, v4;
	v15 =	vshrl.u32 v14, $0xE  }
0x179: {  	vm0 =	vlt.s32 v16, v13;
	vm1 =	vge.u32 v15, v2  }
0x17a: {  	vm15 =	vlt.u32 v15, v3;
	vm0 =	vmand vm0, vm1  }
0x17b: {  	vm0 =	vmand vm15, vm0  }
0x17c: {  	v15 =	vmpcnt.ones.xlane vm0;
	_ =	sdelay $0x1  }
0x17d: {  	p4 =	seq.s32 s4, $0x1;
	(v2sf) =	vpush v15, $0x0  }
.Ltmp31:
0x17e: {  	_ = 	snop;
	(pc) =	sbr.rel @p4 .LBB2_42-.Ltmp31, $3  }
0x17f: {  	_ =	sdelay $0x1  }
0x180: {  	s16 =	simm.s32 $0x4010;
	s24 =	sadd.s32 $0xFFFFFFFF, s4;
	[tilespmem:s0+$0x8080] =	vst.msk vm0, v14  }
0x181: {  	p3 =	por $0x1, $0x1;
	s6 =	simm.s32 @!p2 $0x0;
	s4 =	simm.s32 @!p2 $0x0;
	v14 =	vld [tilespmem:s16+$0x0]  }
.LBB2_43:
0x182: {  	p4 =	seq.s32 s24, $0x1;
	_ =	sdelay $0x2  }
0x183: {  	s6 =	sadd.s32 $0x10, s6  }
0x184: {  	v16 =	vor.u32 s6, v4;
	v15 =	vshrl.u32 v14, $0xE  }
0x185: {  	vm0 =	vlt.s32 v16, v13;
	vm1 =	vge.u32 v15, v2  }
0x186: {  	vm0 =	vmand vm0, vm1;
	vm1 =	vlt.u32 v15, v3  }
0x187: {  	vm0 =	vmand vm1, vm0  }
0x188: {  	v15 =	vmpcnt.ones.xlane vm0  }
0x189: {  	s8 =	spop (v2sf)  }
0x18a: {  	(v2sf) =	vpush v15, $0x0;
	s4 =	sadd.s32 s4, s8  }
.Ltmp32:
0x18b: {  	[tilespmem:s4+$0x8080] =	vst.msk vm0, v14;
	(pc) =	sbr.rel @!p4 .LBB2_43-.Ltmp32, $3  }
0x18c: {  	_ =	sdelay $0x1  }
0x18d: {  	s16 =	sadd.s32 $0x10, s16  }
0x18e: {  	s24 =	sadd.s32 $0xFFFFFFFF, s24;
	v14 =	vld [tilespmem:s16+$0x0]  }
.LBB2_44:
0x18f: {  	_ =	sdelay $0x1  }
0x190: {  	s6 =	sadd.s32 @p3 $0x10, s6;
	s8 =	simm.s32 @!p2 $0x0  }
0x191: {  	s8 =	smov.u32 @p3 s6  }
0x192: {  	v16 =	vor.u32 s8, v4;
	v15 =	vshrl.u32 v14, $0xE  }
0x193: {  	vm0 =	vlt.s32 v16, v13;
	vm1 =	vge.u32 v15, v2  }
0x194: {  	vm15 =	vlt.u32 v15, v3;
	vm0 =	vmand vm0, vm1  }
0x195: {  	vm0 =	vmand vm15, vm0  }
0x196: {  	v13 =	vmpcnt.ones.xlane vm0;
	_ =	sdelay $0x1  }
0x197: {  	(v2sf) =	vpush v13, $0x0;
	_ =	sdelay $0xc  }
0x198: {  	s6 =	spop @p3 (v2sf)  }
0x199: {  	s4 =	sadd.s32 @p3 s4, s6  }
0x19a: {  	s0 =	smov.u32 @p3 s4;
	s31 =	spop (v2sf)  }
0x19b: {  	[tilespmem:s0+$0x8080] =	vst.msk vm0, v14;
	s0 =	sadd.s32 s0, s31  }
0x19c: {  	p3 =	slt.s32 s0, $0x1  }
.Ltmp33:
0x19d: {  	_ = 	snop;
	(pc) =	sbr.rel @p3 .LBB2_40-.Ltmp33, $1  }
0x19e: {  	_ =	sdelay $0x3  }
0x19f: {  	s4 =	simm.s32 $0x8080  }
0x1a0: {  	v13 =	vld [tilespmem:s4+$0x0];
	_ =	sdelay $0x4  }
0x1a1: {  	(v2sf) =	vpush v13, $0x0;
	_ =	sdelay $0xe  }
0x1a2: {  	s31 =	spop (v2sf)  }
0x1a3: {  	s6 =	sshrl.u32 s31, $0xE  }
0x1a4: {  	s6 =	ssub.s32 s6, s3  }
0x1a5: {  	v13 =	vadd.s32 s6, v6;
	_ =	sdelay $0x4  }
0x1a6: {  	v13 =	vld.idx.msk [tilespmem:v13+s15+$0x0], $0xffff  }
0x1a7: {  	v14 =	vadd.s32 s6, v10;
	_ =	sdelay $0x1  }
0x1a8: {  	s16 =	sshll.u32 s28, $0x6  }
0x1a9: {  	s8 =	sand.u32 $0x3C0, s16  }
0x1aa: {  	[tilespmem:s8+$0x1C100] =	vst v13  }
0x1ab: {  	v13 =	vld.idx.msk [tilespmem:v14+s15+$0x0], $0xffff  }
0x1ac: {  	v14 =	vadd.s32 s6, v11;
	_ =	sdelay $0x3  }
0x1ad: {  	[tilespmem:s8+$0x1C110] =	vst v13  }
0x1ae: {  	v13 =	vld.idx.msk [tilespmem:v14+s15+$0x0], $0xffff  }
0x1af: {  	v14 =	vadd.s32 s6, v12;
	_ =	sdelay $0x3  }
0x1b0: {  	[tilespmem:s8+$0x1C120] =	vst v13  }
0x1b1: {  	v13 =	vld.idx.msk [tilespmem:v14+s15+$0x0], $0xffff;
	_ =	sdelay $0x1  }
0x1b2: {  	s24 =	sadd.s32 s28, s0;
	s0 =	sadd.s32 $0xFFFFFFFF, s0  }
0x1b3: {  	p4 =	sne.s32 s0, $0x0  }
.Ltmp34:
0x1b4: {  	p3 =	slt.s32 s28, $0x10;
	(pc) =	sbr.rel @!p4 .LBB2_47-.Ltmp34, $4  }
0x1b5: {  	s10 =	simm.s32 @!p3 $0x2;
	s25 =	sadd.s32 $0x40, s16;
	[tilespmem:s8+$0x1C130] =	vst v13  }
0x1b6: {  	s16 =	sadd.s32 $0x1C100, s8;
	s4 =	sshll.u32 s31, $0x3;
	_ =	swait.ge @!p3 [sflag:s10], $0x40  }
0x1b7: {  	s17 =	sand.u32 $0x1FFF8, s4;
	s4 =	simm.s32 $0x8081;
	[sflag:s10] =	ssyncset.done @!p3 $0x0  }
0x1b8: {  	s17 =	sadd.s32 s9, s17;
	s6 =	sadd.s32 $0x1, s28;
	[sflag:s10] =	ssyncadd.s32 @!p3 $0xFFFFFFC0  }
.LBB2_46:
0x1b9: {  	[hbm4b:s17+s7] =	stream.linear.scatter [tilespmem:s16], [sflag:$0x2], $0x40, $0x38;
	[tilespmem:$0x1E500] =	vst v63  }
0x1ba: {  	s0 =	sadd.s32 $0xFFFFFFFF, s0;
	v13 =	vld [tilespmem:s4+$0x0]  }
0x1bb: {  	p3 =	sne.s32 s0, $0x0;
	_ =	sdelay $0x3  }
0x1bc: {  	(v2sf) =	vpush v13, $0x0;
	_ =	sdelay $0xe  }
0x1bd: {  	s8 =	spop (v2sf)  }
0x1be: {  	s10 =	sshrl.u32 s8, $0xE;
	s8 =	sshll.u32 s8, $0x3  }
0x1bf: {  	s10 =	ssub.s32 s10, s3;
	s8 =	sand.u32 $0x1FFF8, s8  }
0x1c0: {  	v13 =	vadd.s32 s10, v6;
	_ =	sdelay $0x4  }
0x1c1: {  	v13 =	vld.idx.msk [tilespmem:v13+s15+$0x0], $0xffff;
	_ =	sdelay $0x1  }
0x1c2: {  	v14 =	vadd.s32 s10, v10;
	_ =	sdelay $0x2  }
0x1c3: {  	s16 =	sand.u32 $0x3C0, s25  }
0x1c4: {  	[tilespmem:s16+$0x1C100] =	vst v13  }
0x1c5: {  	v13 =	vld.idx.msk [tilespmem:v14+s15+$0x0], $0xffff;
	_ =	sdelay $0x1  }
0x1c6: {  	v14 =	vadd.s32 s10, v11;
	_ =	sdelay $0x3  }
0x1c7: {  	[tilespmem:s16+$0x1C110] =	vst v13  }
0x1c8: {  	v13 =	vld.idx.msk [tilespmem:v14+s15+$0x0], $0xffff;
	_ =	sdelay $0x1  }
0x1c9: {  	v14 =	vadd.s32 s10, v12;
	_ =	sdelay $0x3  }
0x1ca: {  	[tilespmem:s16+$0x1C120] =	vst v13  }
0x1cb: {  	v13 =	vld.idx.msk [tilespmem:v14+s15+$0x0], $0xffff;
	_ =	sdelay $0x4  }
.Ltmp35:
0x1cc: {  	p4 =	slt.s32 s6, $0x10;
	(pc) =	sbr.rel @p3 .LBB2_46-.Ltmp35, $4  }
0x1cd: {  	s10 =	simm.s32 @!p4 $0x2;
	[tilespmem:s16+$0x1C130] =	vst v13  }
0x1ce: {  	s4 =	sadd.s32 $0x1, s4;
	_ =	swait.ge @!p4 [sflag:s10], $0x40  }
0x1cf: {  	s6 =	sadd.s32 $0x1, s6;
	s25 =	sadd.s32 $0x40, s25;
	[sflag:s10] =	ssyncset.done @!p4 $0x0  }
0x1d0: {  	s17 =	sadd.s32 s9, s8;
	s16 =	sadd.s32 $0x1C100, s16;
	[sflag:s10] =	ssyncadd.s32 @!p4 $0xFFFFFFC0  }
.LBB2_47:
.Ltmp36:
0x1d1: {  	(pc) =	sbr.rel .LBB2_48-.Ltmp36, $2  }
0x1d2: {  	_ =	sdelay $0x2  }
0x1d3: {  	[hbm4b:s17+s7] =	stream.linear.scatter [tilespmem:s16], [sflag:$0x2], $0x40, $0x38;
	[tilespmem:$0x1E500] =	vst v63  }
.LBB2_38:
.Ltmp37:
0x1d4: {  	(pc) =	sbr.rel .LBB2_48-.Ltmp37, $3  }
0x1d5: {  	_ =	sdelay $0x1  }
0x1d6: {  	s28 =	smov.u32 @p2 s28  }
0x1d7: {  	s24 =	smov.u32 s28  }
.LBB2_40:
0x1d8: {  	s24 =	smov.u32 s28  }
.LBB2_48:
0x1d9: {  	p3 =	slt.s32 s24, $0x1  }
.Ltmp38:
0x1da: {  	_ = 	snop;
	(pc) =	sbr.rel @p3 .LBB2_52-.Ltmp38, $1  }
0x1db: {  	_ =	sdelay $0x3  }
0x1dc: {  	p3 =	slt.s32 s24, $0x10  }
0x1dd: {  	s24 =	simm.s32 @!p3 $0x10  }
0x1de: {  	p3 =	sne.s32 s24, $0x1  }
.Ltmp39:
0x1df: {  	_ = 	snop;
	(pc) =	sbr.rel @!p3 .LBB2_51-.Ltmp39, $3  }
0x1e0: {  	_ =	sdelay $0x1  }
0x1e1: {  	_ =	swait.ge [sflag:s22], $0x40  }
0x1e2: {  	[sflag:s22] =	ssyncset.done $0x0;
	s0 =	sadd.s32 $0xFFFFFFFF, s24  }
.LBB2_50:
0x1e3: {  	p3 =	sne.s32 s0, $0x1;
	s0 =	sadd.s32 $0xFFFFFFFF, s0;
	[sflag:s22] =	ssyncadd.s32 $0xFFFFFFC0  }
.Ltmp40:
0x1e4: {  	(pc) =	sbr.rel @p3 .LBB2_50-.Ltmp40, $3  }
0x1e5: {  	_ =	sdelay $0x1  }
0x1e6: {  	_ =	swait.ge [sflag:s22], $0x40  }
0x1e7: {  	[sflag:s22] =	ssyncset.done $0x0  }
.Ltmp41:
0x1e8: {  	_ = 	snop;
	(pc) =	sbr.rel .LBB2_51-.Ltmp41, $1  }
0x1e9: {  	_ =	sdelay $0x3  }
.LBB2_37:
.Ltmp42:
0x1ea: {  	(pc) =	sbr.rel .LBB2_44-.Ltmp42, $2  }
0x1eb: {  	_ =	sdelay $0x2  }
0x1ec: {  	s6 =	simm.s32 @!p2 $0x0;
	s4 =	simm.s32 @!p2 $0x0  }
.LBB2_42:
.Ltmp43:
0x1ed: {  	(pc) =	sbr.rel .LBB2_44-.Ltmp43, $2  }
0x1ee: {  	_ =	sdelay $0x2  }
0x1ef: {  	s6 =	simm.s32 @!p2 $0x0;
	s4 =	simm.s32 @!p2 $0x0  }
.LBB2_53:
0x1f0: {  	_ =	sfence.sel $0x180000  }
0x1f1: {  	[bflag:$0x0] =	sbarrier.arrive $0xFFFF  }
0x1f2: {  	_ =	strace $0x90000047  }
0x1f3: {  	s0 =	stileid.u32;
	[bflag:$0x2] =	sbarrier.arrive $0xFFFF  }
0x1f4: {  	p0 =	sne.s32 s0, $0x0;
	s0 =	rddreg [dreg:$0x3]  }
0x1f5: {  	s0 =	sadd.s32 @!p0 $0x100000, s0  }
0x1f6: {  	[sflag:s0] =	ssyncadd.tile.s32 @!p0 $0x1;
	_ =	shalt  }
.Lfunc_end2:
_tile_overlayer_lowered:
.L_overlay_start_2:
0x1f7: {  	(tag) =	ssettag $0x2  }
0x1f8: {  	s0 =	rddreg [dreg:$0x0];
	s2 =	stileid.u32  }
0x1f9: {  	s1 =	rddreg [dreg:$0x1];
	p0 =	sne.s32 s2, $0x0  }
0x1fa: {  	s3 =	rddreg [dreg:$0x2];
	[bflag:$0x3] =	sbarrier.arrive $0xFFFF;
	s2 =	simm.s32 @!p0 $0x1C05  }
0x1fb: {  	[timem:s3], [sflag:s2] =	dma.local @!p0 [hbm:s0], s1  }
0x1fc: {  	s0 =	simm.s32 @!p0 $0x5  }
0x1fd: {  	_ =	swait.ge @!p0 [sflag:s0], s1  }
0x1fe: {  	s1 =	ssub.s32 @!p0 $0x0, s1;
	[sflag:s0] =	ssyncset.done @!p0 $0x0  }
0x1ff: {  	[sflag:s0] =	ssyncadd.s32 @!p0 s1  }
0x200: {  	[bflag:$0x3] =	sbarrier.arrive $0xFFFF  }
0x201: {  	_ =	shalt  }

</sc_bundles>
